<compile_context>
chip_gen: v7x
topology: tpu7x:2x2x1
jax: 0.10.2.dev20260603
libtpu: 0.0.44.dev20260713+nightly
codegen_flags: <defaults>
</compile_context>

<pallas_src>
import functools

import jax
import jax.numpy as jnp
from jax import lax
from jax.experimental import pallas as pl
from jax.experimental.pallas import tpu as pltpu
from jax.experimental.pallas import tpu_sc as plsc

_B, _T, _D = 4, 2048, 2048
_H, _G, _Kc, _gd = 4, 2, 256, 16
_BUCKETS, _ASSOC, _KEY_DIM, _MEM_DIM = 65536, 1, 128, 256
_N = _B * _T
_HG = _H * _G
_BT = 512
_NBLK = _N // _BT
_NH = _N * _H

_NW = 32
_M = _NH // _NW
_C = 128
_NCH = _M // _C


def _route_body(u_ref, wc_ref, cb_ref, e2_ref, idx_ref, qk_ref):
    u = u_ref[...]
    z = jnp.dot(u, wc_ref[...], preferred_element_type=jnp.float32)
    y = z[:, : _HG * _gd]
    qk_ref[...] = z[:, _HG * _gd :]
    cols = []
    for h in range(_H):
        acc = None
        for g in range(_G):
            hg = h * _G + g
            yhg = y[:, hg * _gd : (hg + 1) * _gd]
            dot = lax.dot_general(
                yhg, cb_ref[hg],
                dimension_numbers=(((1,), (1,)), ((), ())),
                preferred_element_type=jnp.float32,
            )
            y2 = jnp.sum(yhg * yhg, axis=1, keepdims=True)
            dist = y2 + e2_ref[hg : hg + 1, :] - 2.0 * dot
            m = jnp.min(dist, axis=1, keepdims=True)
            kiota = lax.broadcasted_iota(jnp.int32, (_BT, _Kc), 1)
            best = jnp.min(jnp.where(dist <= m, kiota, _Kc), axis=1, keepdims=True)
            contrib = best * (_Kc ** g)
            acc = contrib if acc is None else acc + contrib
        cols.append(acc)
    idx_ref[...] = jnp.concatenate(cols, axis=1)


_route = pl.pallas_call(
    _route_body,
    grid=(_NBLK,),
    in_specs=[
        pl.BlockSpec((_BT, _D), lambda i: (i, 0)),
        pl.BlockSpec((_D, _HG * _gd + _KEY_DIM), lambda i: (0, 0)),
        pl.BlockSpec((_HG, _Kc, _gd), lambda i: (0, 0, 0)),
        pl.BlockSpec((_HG, _Kc), lambda i: (0, 0)),
    ],
    out_specs=[
        pl.BlockSpec((_BT, _H), lambda i: (i, 0)),
        pl.BlockSpec((_BT, _KEY_DIM), lambda i: (i, 0)),
    ],
    out_shape=[
        jax.ShapeDtypeStruct((_N, _H), jnp.int32),
        jax.ShapeDtypeStruct((_N, _KEY_DIM), jnp.float32),
    ],
)


def _gather_body(keys_hbm, vals_hbm, idx_hbm, keys_out, vals_out,
                 idx_v, kbuf, vbuf, ksem, vsem):
    wid = lax.axis_index("s") * 2 + lax.axis_index("c")
    base = wid * _M
    pltpu.sync_copy(idx_hbm.at[wid], idx_v)
    for j in range(_NCH):
        kcp = pltpu.async_copy(keys_hbm.at[idx_v.at[j]], kbuf, ksem)
        vcp = pltpu.async_copy(vals_hbm.at[idx_v.at[j]], vbuf, vsem)
        kcp.wait()
        vcp.wait()
        pltpu.sync_copy(kbuf, keys_out.at[pl.ds(base + j * _C, _C)])
        pltpu.sync_copy(vbuf, vals_out.at[pl.ds(base + j * _C, _C)])


@functools.lru_cache(maxsize=1)
def _make_gather():
    return functools.partial(
        pl.kernel,
        mesh=plsc.VectorSubcoreMesh(core_axis_name="c", subcore_axis_name="s"),
        out_type=[
            jax.ShapeDtypeStruct((_NH, _KEY_DIM), jnp.float32),
            jax.ShapeDtypeStruct((_NH, _MEM_DIM), jnp.float32),
        ],
        scratch_types=[
            pltpu.VMEM((_NCH, _C), jnp.int32),
            pltpu.VMEM((_C, _KEY_DIM), jnp.float32),
            pltpu.VMEM((_C, _MEM_DIM), jnp.float32),
            pltpu.SemaphoreType.DMA,
            pltpu.SemaphoreType.DMA,
        ],
    )(_gather_body)


def _read_body(qk_ref, keys_ref, vals_ref, wt_ref, out_ref):
    qk = qk_ref[...]
    scores = []
    for h in range(_H):
        s = jnp.sum(qk * keys_ref[:, h, :], axis=1, keepdims=True)
        scores.append(s)
    s = jnp.concatenate(scores, axis=1) / jnp.sqrt(jnp.float32(_KEY_DIM))
    m = jnp.max(s, axis=1, keepdims=True)
    e = jnp.exp(s - m)
    a = e / jnp.sum(e, axis=1, keepdims=True)
    read = None
    for h in range(_H):
        contrib = a[:, h : h + 1] * vals_ref[:, h, :]
        read = contrib if read is None else read + contrib
    out_ref[...] = jnp.dot(read, wt_ref[...], preferred_element_type=jnp.float32)


_read = pl.pallas_call(
    _read_body,
    grid=(_NBLK,),
    in_specs=[
        pl.BlockSpec((_BT, _KEY_DIM), lambda i: (i, 0)),
        pl.BlockSpec((_BT, _H, _KEY_DIM), lambda i: (i, 0, 0)),
        pl.BlockSpec((_BT, _H, _MEM_DIM), lambda i: (i, 0, 0)),
        pl.BlockSpec((_MEM_DIM, _D), lambda i: (0, 0)),
    ],
    out_specs=pl.BlockSpec((_BT, _D), lambda i: (i, 0)),
    out_shape=jax.ShapeDtypeStruct((_N, _D), jnp.float32),
)


def kernel(u, mem_keys, mem_values, W_proj_r, cb_r, W_qkey, W_out):
    u2 = u.reshape(_N, _D)
    wc = jnp.concatenate([W_proj_r.T, W_qkey.T], axis=1)
    cb2 = cb_r.reshape(_HG, _Kc, _gd)
    e2 = jnp.sum(cb_r * cb_r, axis=-1).reshape(_HG, _Kc)
    idx, qk = _route(u2, wc, cb2, e2)
    idx3 = idx.reshape(_NW, _NCH, _C)
    keys_sel, vals_sel = _make_gather()(
        mem_keys.reshape(_BUCKETS, _KEY_DIM),
        mem_values.reshape(_BUCKETS, _MEM_DIM),
        idx3,
    )
    out2 = _read(
        qk,
        keys_sel.reshape(_N, _H, _KEY_DIM),
        vals_sel.reshape(_N, _H, _MEM_DIM),
        W_out.T,
    )
    return out2.reshape(_B, _T, _D)

# --- scband reference (transcript-rebuilt; emitter-appended) ---
"""Pipeline reference for scband-mosaic-memory-3152505995411 (READ-ONLY COPY).

The authoritative reference and input builder live on the scoring server;
editing this copy changes nothing except your own understanding.
"""

import jax, jax.numpy as jnp
import numpy as np

B, T, D = 4, 2048, 2048
H, G, Kc, gd = 4, 2, 256, 16
BUCKETS, ASSOC, KEY_DIM, MEM_DIM = 65536, 1, 128, 256


def setup_inputs(seed: int = 0) -> dict:
    key = jax.random.key(seed)
    ks = jax.random.split(key, 8)
    u = jax.random.normal(ks[0], (B, T, D), dtype=jnp.float32)
    mem_keys = jax.random.normal(ks[1], (BUCKETS, ASSOC, KEY_DIM), dtype=jnp.float32) * 0.02
    mem_values = jax.random.normal(ks[2], (BUCKETS, ASSOC, MEM_DIM), dtype=jnp.float32) * 0.02
    W_proj_r = jax.random.normal(ks[3], (H * G * gd, D), dtype=jnp.float32) * 0.02
    cb_r = jax.random.normal(ks[4], (H, G, Kc, gd), dtype=jnp.float32) * 0.02
    W_qkey = jax.random.normal(ks[5], (KEY_DIM, D), dtype=jnp.float32) * 0.02
    W_out = jax.random.normal(ks[6], (D, MEM_DIM), dtype=jnp.float32) * 0.02
    return {"u": u, "mem_keys": mem_keys, "mem_values": mem_values,
            "W_proj_r": W_proj_r, "cb_r": cb_r, "W_qkey": W_qkey, "W_out": W_out}


def reference(u, mem_keys, mem_values, W_proj_r, cb_r, W_qkey, W_out):
    # Route projection: (B,T,D) -> (B,T,H,G,gd)
    y = (u @ W_proj_r.T).reshape(B, T, H, G, gd)
    # Product-quantized VQ routing (beam=1 path of _route_vq)
    y2 = jnp.sum(y * y, axis=-1)                      # (B,T,H,G)
    e2 = jnp.sum(cb_r * cb_r, axis=-1)                # (H,G,Kc)
    dot = jnp.einsum('bthgd,hgkd->bthgk', y, cb_r)    # (B,T,H,G,Kc)
    dist = y2[..., None] + e2[None, None] - 2.0 * dot
    best = jnp.argmin(dist, axis=-1)                  # (B,T,H,G)
    powK = jnp.array([Kc ** i for i in range(G)], dtype=jnp.int32).reshape(1, 1, 1, G)
    idx = jnp.sum(best.astype(jnp.int32) * powK, axis=-1)  # (B,T,H)
    idx = jnp.remainder(idx, BUCKETS)
    # Associative read: gather bucket slots, score against query key, softmax, mix values
    qk = u @ W_qkey.T                                 # (B,T,KEY_DIM)
    keys_sel = mem_keys[idx]                          # (B,T,H,ASSOC,KEY_DIM)
    vals_sel = mem_values[idx]                        # (B,T,H,ASSOC,MEM_DIM)
    scores = jnp.einsum('btd,bthad->btha', qk, keys_sel) / jnp.sqrt(jnp.float32(KEY_DIM))
    attn = jax.nn.softmax(scores.reshape(B, T, H * ASSOC), axis=-1)
    read = jnp.einsum('btm,btmd->btd', attn, vals_sel.reshape(B, T, H * ASSOC, MEM_DIM))
    out = read @ W_out.T                              # (B,T,D)
    return out

if __name__ == "__main__":
    import jax
    _d = setup_inputs()
    print(jax.jit(kernel)(*tuple(_d.values())))

</pallas_src>

<mosaic_0001>
#map = affine_map<(d0, d1) -> (0, 0)>
#map1 = affine_map<(d0, d1) -> (0, 0, 0)>
module attributes {stable_mosaic.version = 14 : i64} {
  func.func @_gather_body(%arg0: i32, %arg1: i32, %arg2: memref<65536x128xf32, #tpu.memory_space<hbm>>, %arg3: memref<65536x256xf32, #tpu.memory_space<hbm>>, %arg4: memref<32x8x128xi32, #tpu.memory_space<hbm>>, %arg5: memref<32768x128xf32, #tpu.memory_space<hbm>>, %arg6: memref<32768x256xf32, #tpu.memory_space<hbm>>, %arg7: memref<8x128xi32, #tpu.memory_space<vmem>>, %arg8: memref<128x128xf32, #tpu.memory_space<vmem>>, %arg9: memref<128x256xf32, #tpu.memory_space<vmem>>, %arg10: memref<!tpu.dma_semaphore, #tpu.memory_space<semaphore_mem>>, %arg11: memref<!tpu.dma_semaphore, #tpu.memory_space<semaphore_mem>>) attributes {dimension_semantics = [#tpu.dimension_semantics<core_parallel>, #tpu.dimension_semantics<subcore_parallel>], iteration_bounds = array<i64: 2, 16>, scalar_prefetch = 0 : i64, scratch_operands = 5 : i64, tpu.core_type = #tpu.core_type<sc_vector_subcore>, window_params = [{transform_indices = #map}, {transform_indices = #map}, {transform_indices = #map1}, {transform_indices = #map}, {transform_indices = #map}]} {
    %mul3A = arith.constant 2 : i32
    %mul3A_0 = arith.muli %arg1, %mul3A : i32
    %add3A = arith.addi %mul3A_0, %arg0 : i32
    %mul3A_1 = arith.constant 1024 : i32
    %mul3A_2 = arith.muli %add3A, %mul3A_1 : i32
    "tpu.region"() ({
      %run_scoped3A = tpu.sem_alloc : memref<!tpu.dma_semaphore, #tpu.memory_space<semaphore_mem>>
      %dma_start3A_257 = arith.constant 0 : i32
      %dma_start3A_258 = arith.constant 0 : i32
      %dma_start3A_259 = tpu.memref_slice %arg4[%add3A, %dma_start3A_257, %dma_start3A_258] : memref<32x8x128xi32, #tpu.memory_space<hbm>> -> memref<1x8x128xi32, #tpu.memory_space<hbm>>
      %dma_start3A_260 = tpu.memref_squeeze %dma_start3A_259 : memref<1x8x128xi32, #tpu.memory_space<hbm>> -> memref<8x128xi32, #tpu.memory_space<hbm>>
      %dma_start3A_261 = arith.constant 0 : i32
      %dma_start3A_262 = arith.constant 0 : i32
      %dma_start3A_263 = tpu.memref_slice %arg4[%add3A, %dma_start3A_261, %dma_start3A_262] : memref<32x8x128xi32, #tpu.memory_space<hbm>> -> memref<1x8x128xi32, #tpu.memory_space<hbm>>
      %dma_start3A_264 = tpu.memref_squeeze %dma_start3A_263 : memref<1x8x128xi32, #tpu.memory_space<hbm>> -> memref<8x128xi32, #tpu.memory_space<hbm>>
      tpu.enqueue_dma source(%dma_start3A_264 : memref<8x128xi32, #tpu.memory_space<hbm>>) target(%arg7 : memref<8x128xi32, #tpu.memory_space<vmem>>) target_semaphore(%run_scoped3A : memref<!tpu.dma_semaphore, #tpu.memory_space<semaphore_mem>>)
      %dma_wait3A_265 = arith.constant 0 : i32
      %dma_wait3A_266 = arith.constant 0 : i32
      %dma_wait3A_267 = tpu.memref_slice %arg4[%add3A, %dma_wait3A_265, %dma_wait3A_266] : memref<32x8x128xi32, #tpu.memory_space<hbm>> -> memref<1x8x128xi32, #tpu.memory_space<hbm>>
      %dma_wait3A_268 = tpu.memref_squeeze %dma_wait3A_267 : memref<1x8x128xi32, #tpu.memory_space<hbm>> -> memref<8x128xi32, #tpu.memory_space<hbm>>
      %dma_wait3A_269 = arith.constant 0 : i32
      %dma_wait3A_270 = arith.constant 0 : i32
      %dma_wait3A_271 = tpu.memref_slice %arg4[%add3A, %dma_wait3A_269, %dma_wait3A_270] : memref<32x8x128xi32, #tpu.memory_space<hbm>> -> memref<1x8x128xi32, #tpu.memory_space<hbm>>
      %dma_wait3A_272 = tpu.memref_squeeze %dma_wait3A_271 : memref<1x8x128xi32, #tpu.memory_space<hbm>> -> memref<8x128xi32, #tpu.memory_space<hbm>>
      tpu.wait_dma2 semaphore(%run_scoped3A : memref<!tpu.dma_semaphore, #tpu.memory_space<semaphore_mem>>) src(%dma_wait3A_272 : memref<8x128xi32, #tpu.memory_space<hbm>>) dst(%arg7 : memref<8x128xi32, #tpu.memory_space<vmem>>)
      tpu.yield
    }) : () -> ()
    %dma_start3A = arith.constant 0 : i32
    %dma_start3A_3 = arith.constant 0 : i32
    %dma_start3A_4 = tpu.memref_slice %arg7[%dma_start3A, %dma_start3A_3] : memref<8x128xi32, #tpu.memory_space<vmem>> -> memref<1x128xi32, #tpu.memory_space<vmem>>
    %dma_start3A_5 = tpu.memref_squeeze %dma_start3A_4 : memref<1x128xi32, #tpu.memory_space<vmem>> -> memref<128xi32, #tpu.memory_space<vmem>>
    %dma_start3A_6 = arith.constant 0 : i32
    %dma_start3A_7 = arith.constant 0 : i32
    %dma_start3A_8 = tpu.memref_slice %arg2[%dma_start3A_6, %dma_start3A_7] : memref<65536x128xf32, #tpu.memory_space<hbm>> -> memref<65536x128xf32, #tpu.memory_space<hbm>>
    tpu.enqueue_indirect_dma source(%dma_start3A_8 : memref<65536x128xf32, #tpu.memory_space<hbm>>) target(%arg8 : memref<128x128xf32, #tpu.memory_space<vmem>>) offsets(%dma_start3A_5 : memref<128xi32, #tpu.memory_space<vmem>>) semaphore(%arg10 : memref<!tpu.dma_semaphore, #tpu.memory_space<semaphore_mem>>)
    %dma_start3A_9 = arith.constant 0 : i32
    %dma_start3A_10 = arith.constant 0 : i32
    %dma_start3A_11 = tpu.memref_slice %arg7[%dma_start3A_9, %dma_start3A_10] : memref<8x128xi32, #tpu.memory_space<vmem>> -> memref<1x128xi32, #tpu.memory_space<vmem>>
    %dma_start3A_12 = tpu.memref_squeeze %dma_start3A_11 : memref<1x128xi32, #tpu.memory_space<vmem>> -> memref<128xi32, #tpu.memory_space<vmem>>
    %dma_start3A_13 = arith.constant 0 : i32
    %dma_start3A_14 = arith.constant 0 : i32
    %dma_start3A_15 = tpu.memref_slice %arg3[%dma_start3A_13, %dma_start3A_14] : memref<65536x256xf32, #tpu.memory_space<hbm>> -> memref<65536x256xf32, #tpu.memory_space<hbm>>
    tpu.enqueue_indirect_dma source(%dma_start3A_15 : memref<65536x256xf32, #tpu.memory_space<hbm>>) target(%arg9 : memref<128x256xf32, #tpu.memory_space<vmem>>) offsets(%dma_start3A_12 : memref<128xi32, #tpu.memory_space<vmem>>) semaphore(%arg11 : memref<!tpu.dma_semaphore, #tpu.memory_space<semaphore_mem>>)
    %dma_wait3A = arith.constant 0 : i32
    %dma_wait3A_16 = arith.constant 0 : i32
    %dma_wait3A_17 = tpu.memref_slice %arg7[%dma_wait3A, %dma_wait3A_16] : memref<8x128xi32, #tpu.memory_space<vmem>> -> memref<1x128xi32, #tpu.memory_space<vmem>>
    %dma_wait3A_18 = tpu.memref_squeeze %dma_wait3A_17 : memref<1x128xi32, #tpu.memory_space<vmem>> -> memref<128xi32, #tpu.memory_space<vmem>>
    %dma_wait3A_19 = arith.constant 0 : i32
    %dma_wait3A_20 = arith.constant 0 : i32
    %dma_wait3A_21 = tpu.memref_slice %arg2[%dma_wait3A_19, %dma_wait3A_20] : memref<65536x128xf32, #tpu.memory_space<hbm>> -> memref<65536x128xf32, #tpu.memory_space<hbm>>
    tpu.wait_indirect_dma semaphore(%arg10 : memref<!tpu.dma_semaphore, #tpu.memory_space<semaphore_mem>>) src(%dma_wait3A_21 : memref<65536x128xf32, #tpu.memory_space<hbm>>) dst(%arg8 : memref<128x128xf32, #tpu.memory_space<vmem>>)
    %dma_wait3A_22 = arith.constant 0 : i32
    %dma_wait3A_23 = arith.constant 0 : i32
    %dma_wait3A_24 = tpu.memref_slice %arg7[%dma_wait3A_22, %dma_wait3A_23] : memref<8x128xi32, #tpu.memory_space<vmem>> -> memref<1x128xi32, #tpu.memory_space<vmem>>
    %dma_wait3A_25 = tpu.memref_squeeze %dma_wait3A_24 : memref<1x128xi32, #tpu.memory_space<vmem>> -> memref<128xi32, #tpu.memory_space<vmem>>
    %dma_wait3A_26 = arith.constant 0 : i32
    %dma_wait3A_27 = arith.constant 0 : i32
    %dma_wait3A_28 = tpu.memref_slice %arg3[%dma_wait3A_26, %dma_wait3A_27] : memref<65536x256xf32, #tpu.memory_space<hbm>> -> memref<65536x256xf32, #tpu.memory_space<hbm>>
    tpu.wait_indirect_dma semaphore(%arg11 : memref<!tpu.dma_semaphore, #tpu.memory_space<semaphore_mem>>) src(%dma_wait3A_28 : memref<65536x256xf32, #tpu.memory_space<hbm>>) dst(%arg9 : memref<128x256xf32, #tpu.memory_space<vmem>>)
    %add3A_29 = arith.constant 0 : i32
    %add3A_30 = arith.addi %mul3A_2, %add3A_29 : i32
    "tpu.region"() ({
      %run_scoped3A = tpu.sem_alloc : memref<!tpu.dma_semaphore, #tpu.memory_space<semaphore_mem>>
      %dma_start3A_257 = arith.constant 0 : i32
      %dma_start3A_258 = tpu.memref_slice %arg5[%add3A_30, %dma_start3A_257] : memref<32768x128xf32, #tpu.memory_space<hbm>> -> memref<128x128xf32, #tpu.memory_space<hbm>>
      %dma_start3A_259 = arith.constant 0 : i32
      %dma_start3A_260 = tpu.memref_slice %arg5[%add3A_30, %dma_start3A_259] : memref<32768x128xf32, #tpu.memory_space<hbm>> -> memref<128x128xf32, #tpu.memory_space<hbm>>
      tpu.enqueue_dma source(%arg8 : memref<128x128xf32, #tpu.memory_space<vmem>>) target(%dma_start3A_260 : memref<128x128xf32, #tpu.memory_space<hbm>>) target_semaphore(%run_scoped3A : memref<!tpu.dma_semaphore, #tpu.memory_space<semaphore_mem>>)
      %dma_wait3A_261 = arith.constant 0 : i32
      %dma_wait3A_262 = tpu.memref_slice %arg5[%add3A_30, %dma_wait3A_261] : memref<32768x128xf32, #tpu.memory_space<hbm>> -> memref<128x128xf32, #tpu.memory_space<hbm>>
      %dma_wait3A_263 = arith.constant 0 : i32
      %dma_wait3A_264 = tpu.memref_slice %arg5[%add3A_30, %dma_wait3A_263] : memref<32768x128xf32, #tpu.memory_space<hbm>> -> memref<128x128xf32, #tpu.memory_space<hbm>>
      tpu.wait_dma2 semaphore(%run_scoped3A : memref<!tpu.dma_semaphore, #tpu.memory_space<semaphore_mem>>) src(%arg8 : memref<128x128xf32, #tpu.memory_space<vmem>>) dst(%dma_wait3A_264 : memref<128x128xf32, #tpu.memory_space<hbm>>)
      tpu.yield
    }) : () -> ()
    %add3A_31 = arith.constant 0 : i32
    %add3A_32 = arith.addi %mul3A_2, %add3A_31 : i32
    "tpu.region"() ({
      %run_scoped3A = tpu.sem_alloc : memref<!tpu.dma_semaphore, #tpu.memory_space<semaphore_mem>>
      %dma_start3A_257 = arith.constant 0 : i32
      %dma_start3A_258 = tpu.memref_slice %arg6[%add3A_32, %dma_start3A_257] : memref<32768x256xf32, #tpu.memory_space<hbm>> -> memref<128x256xf32, #tpu.memory_space<hbm>>
      %dma_start3A_259 = arith.constant 0 : i32
      %dma_start3A_260 = tpu.memref_slice %arg6[%add3A_32, %dma_start3A_259] : memref<32768x256xf32, #tpu.memory_space<hbm>> -> memref<128x256xf32, #tpu.memory_space<hbm>>
      tpu.enqueue_dma source(%arg9 : memref<128x256xf32, #tpu.memory_space<vmem>>) target(%dma_start3A_260 : memref<128x256xf32, #tpu.memory_space<hbm>>) target_semaphore(%run_scoped3A : memref<!tpu.dma_semaphore, #tpu.memory_space<semaphore_mem>>)
      %dma_wait3A_261 = arith.constant 0 : i32
      %dma_wait3A_262 = tpu.memref_slice %arg6[%add3A_32, %dma_wait3A_261] : memref<32768x256xf32, #tpu.memory_space<hbm>> -> memref<128x256xf32, #tpu.memory_space<hbm>>
      %dma_wait3A_263 = arith.constant 0 : i32
      %dma_wait3A_264 = tpu.memref_slice %arg6[%add3A_32, %dma_wait3A_263] : memref<32768x256xf32, #tpu.memory_space<hbm>> -> memref<128x256xf32, #tpu.memory_space<hbm>>
      tpu.wait_dma2 semaphore(%run_scoped3A : memref<!tpu.dma_semaphore, #tpu.memory_space<semaphore_mem>>) src(%arg9 : memref<128x256xf32, #tpu.memory_space<vmem>>) dst(%dma_wait3A_264 : memref<128x256xf32, #tpu.memory_space<hbm>>)
      tpu.yield
    }) : () -> ()
    %dma_start3A_33 = arith.constant 1 : i32
    %dma_start3A_34 = arith.constant 0 : i32
    %dma_start3A_35 = tpu.memref_slice %arg7[%dma_start3A_33, %dma_start3A_34] : memref<8x128xi32, #tpu.memory_space<vmem>> -> memref<1x128xi32, #tpu.memory_space<vmem>>
    %dma_start3A_36 = tpu.memref_squeeze %dma_start3A_35 : memref<1x128xi32, #tpu.memory_space<vmem>> -> memref<128xi32, #tpu.memory_space<vmem>>
    %dma_start3A_37 = arith.constant 0 : i32
    %dma_start3A_38 = arith.constant 0 : i32
    %dma_start3A_39 = tpu.memref_slice %arg2[%dma_start3A_37, %dma_start3A_38] : memref<65536x128xf32, #tpu.memory_space<hbm>> -> memref<65536x128xf32, #tpu.memory_space<hbm>>
    tpu.enqueue_indirect_dma source(%dma_start3A_39 : memref<65536x128xf32, #tpu.memory_space<hbm>>) target(%arg8 : memref<128x128xf32, #tpu.memory_space<vmem>>) offsets(%dma_start3A_36 : memref<128xi32, #tpu.memory_space<vmem>>) semaphore(%arg10 : memref<!tpu.dma_semaphore, #tpu.memory_space<semaphore_mem>>)
    %dma_start3A_40 = arith.constant 1 : i32
    %dma_start3A_41 = arith.constant 0 : i32
    %dma_start3A_42 = tpu.memref_slice %arg7[%dma_start3A_40, %dma_start3A_41] : memref<8x128xi32, #tpu.memory_space<vmem>> -> memref<1x128xi32, #tpu.memory_space<vmem>>
    %dma_start3A_43 = tpu.memref_squeeze %dma_start3A_42 : memref<1x128xi32, #tpu.memory_space<vmem>> -> memref<128xi32, #tpu.memory_space<vmem>>
    %dma_start3A_44 = arith.constant 0 : i32
    %dma_start3A_45 = arith.constant 0 : i32
    %dma_start3A_46 = tpu.memref_slice %arg3[%dma_start3A_44, %dma_start3A_45] : memref<65536x256xf32, #tpu.memory_space<hbm>> -> memref<65536x256xf32, #tpu.memory_space<hbm>>
    tpu.enqueue_indirect_dma source(%dma_start3A_46 : memref<65536x256xf32, #tpu.memory_space<hbm>>) target(%arg9 : memref<128x256xf32, #tpu.memory_space<vmem>>) offsets(%dma_start3A_43 : memref<128xi32, #tpu.memory_space<vmem>>) semaphore(%arg11 : memref<!tpu.dma_semaphore, #tpu.memory_space<semaphore_mem>>)
    %dma_wait3A_47 = arith.constant 1 : i32
    %dma_wait3A_48 = arith.constant 0 : i32
    %dma_wait3A_49 = tpu.memref_slice %arg7[%dma_wait3A_47, %dma_wait3A_48] : memref<8x128xi32, #tpu.memory_space<vmem>> -> memref<1x128xi32, #tpu.memory_space<vmem>>
    %dma_wait3A_50 = tpu.memref_squeeze %dma_wait3A_49 : memref<1x128xi32, #tpu.memory_space<vmem>> -> memref<128xi32, #tpu.memory_space<vmem>>
    %dma_wait3A_51 = arith.constant 0 : i32
    %dma_wait3A_52 = arith.constant 0 : i32
    %dma_wait3A_53 = tpu.memref_slice %arg2[%dma_wait3A_51, %dma_wait3A_52] : memref<65536x128xf32, #tpu.memory_space<hbm>> -> memref<65536x128xf32, #tpu.memory_space<hbm>>
    tpu.wait_indirect_dma semaphore(%arg10 : memref<!tpu.dma_semaphore, #tpu.memory_space<semaphore_mem>>) src(%dma_wait3A_53 : memref<65536x128xf32, #tpu.memory_space<hbm>>) dst(%arg8 : memref<128x128xf32, #tpu.memory_space<vmem>>)
    %dma_wait3A_54 = arith.constant 1 : i32
    %dma_wait3A_55 = arith.constant 0 : i32
    %dma_wait3A_56 = tpu.memref_slice %arg7[%dma_wait3A_54, %dma_wait3A_55] : memref<8x128xi32, #tpu.memory_space<vmem>> -> memref<1x128xi32, #tpu.memory_space<vmem>>
    %dma_wait3A_57 = tpu.memref_squeeze %dma_wait3A_56 : memref<1x128xi32, #tpu.memory_space<vmem>> -> memref<128xi32, #tpu.memory_space<vmem>>
    %dma_wait3A_58 = arith.constant 0 : i32
    %dma_wait3A_59 = arith.constant 0 : i32
    %dma_wait3A_60 = tpu.memref_slice %arg3[%dma_wait3A_58, %dma_wait3A_59] : memref<65536x256xf32, #tpu.memory_space<hbm>> -> memref<65536x256xf32, #tpu.memory_space<hbm>>
    tpu.wait_indirect_dma semaphore(%arg11 : memref<!tpu.dma_semaphore, #tpu.memory_space<semaphore_mem>>) src(%dma_wait3A_60 : memref<65536x256xf32, #tpu.memory_space<hbm>>) dst(%arg9 : memref<128x256xf32, #tpu.memory_space<vmem>>)
    %add3A_61 = arith.constant 128 : i32
    %add3A_62 = arith.addi %mul3A_2, %add3A_61 : i32
    "tpu.region"() ({
      %run_scoped3A = tpu.sem_alloc : memref<!tpu.dma_semaphore, #tpu.memory_space<semaphore_mem>>
      %dma_start3A_257 = arith.constant 0 : i32
      %dma_start3A_258 = tpu.memref_slice %arg5[%add3A_62, %dma_start3A_257] : memref<32768x128xf32, #tpu.memory_space<hbm>> -> memref<128x128xf32, #tpu.memory_space<hbm>>
      %dma_start3A_259 = arith.constant 0 : i32
      %dma_start3A_260 = tpu.memref_slice %arg5[%add3A_62, %dma_start3A_259] : memref<32768x128xf32, #tpu.memory_space<hbm>> -> memref<128x128xf32, #tpu.memory_space<hbm>>
      tpu.enqueue_dma source(%arg8 : memref<128x128xf32, #tpu.memory_space<vmem>>) target(%dma_start3A_260 : memref<128x128xf32, #tpu.memory_space<hbm>>) target_semaphore(%run_scoped3A : memref<!tpu.dma_semaphore, #tpu.memory_space<semaphore_mem>>)
      %dma_wait3A_261 = arith.constant 0 : i32
      %dma_wait3A_262 = tpu.memref_slice %arg5[%add3A_62, %dma_wait3A_261] : memref<32768x128xf32, #tpu.memory_space<hbm>> -> memref<128x128xf32, #tpu.memory_space<hbm>>
      %dma_wait3A_263 = arith.constant 0 : i32
      %dma_wait3A_264 = tpu.memref_slice %arg5[%add3A_62, %dma_wait3A_263] : memref<32768x128xf32, #tpu.memory_space<hbm>> -> memref<128x128xf32, #tpu.memory_space<hbm>>
      tpu.wait_dma2 semaphore(%run_scoped3A : memref<!tpu.dma_semaphore, #tpu.memory_space<semaphore_mem>>) src(%arg8 : memref<128x128xf32, #tpu.memory_space<vmem>>) dst(%dma_wait3A_264 : memref<128x128xf32, #tpu.memory_space<hbm>>)
      tpu.yield
    }) : () -> ()
    %add3A_63 = arith.constant 128 : i32
    %add3A_64 = arith.addi %mul3A_2, %add3A_63 : i32
    "tpu.region"() ({
      %run_scoped3A = tpu.sem_alloc : memref<!tpu.dma_semaphore, #tpu.memory_space<semaphore_mem>>
      %dma_start3A_257 = arith.constant 0 : i32
      %dma_start3A_258 = tpu.memref_slice %arg6[%add3A_64, %dma_start3A_257] : memref<32768x256xf32, #tpu.memory_space<hbm>> -> memref<128x256xf32, #tpu.memory_space<hbm>>
      %dma_start3A_259 = arith.constant 0 : i32
      %dma_start3A_260 = tpu.memref_slice %arg6[%add3A_64, %dma_start3A_259] : memref<32768x256xf32, #tpu.memory_space<hbm>> -> memref<128x256xf32, #tpu.memory_space<hbm>>
      tpu.enqueue_dma source(%arg9 : memref<128x256xf32, #tpu.memory_space<vmem>>) target(%dma_start3A_260 : memref<128x256xf32, #tpu.memory_space<hbm>>) target_semaphore(%run_scoped3A : memref<!tpu.dma_semaphore, #tpu.memory_space<semaphore_mem>>)
      %dma_wait3A_261 = arith.constant 0 : i32
      %dma_wait3A_262 = tpu.memref_slice %arg6[%add3A_64, %dma_wait3A_261] : memref<32768x256xf32, #tpu.memory_space<hbm>> -> memref<128x256xf32, #tpu.memory_space<hbm>>
      %dma_wait3A_263 = arith.constant 0 : i32
      %dma_wait3A_264 = tpu.memref_slice %arg6[%add3A_64, %dma_wait3A_263] : memref<32768x256xf32, #tpu.memory_space<hbm>> -> memref<128x256xf32, #tpu.memory_space<hbm>>
      tpu.wait_dma2 semaphore(%run_scoped3A : memref<!tpu.dma_semaphore, #tpu.memory_space<semaphore_mem>>) src(%arg9 : memref<128x256xf32, #tpu.memory_space<vmem>>) dst(%dma_wait3A_264 : memref<128x256xf32, #tpu.memory_space<hbm>>)
      tpu.yield
    }) : () -> ()
    %dma_start3A_65 = arith.constant 2 : i32
    %dma_start3A_66 = arith.constant 0 : i32
    %dma_start3A_67 = tpu.memref_slice %arg7[%dma_start3A_65, %dma_start3A_66] : memref<8x128xi32, #tpu.memory_space<vmem>> -> memref<1x128xi32, #tpu.memory_space<vmem>>
    %dma_start3A_68 = tpu.memref_squeeze %dma_start3A_67 : memref<1x128xi32, #tpu.memory_space<vmem>> -> memref<128xi32, #tpu.memory_space<vmem>>
    %dma_start3A_69 = arith.constant 0 : i32
    %dma_start3A_70 = arith.constant 0 : i32
    %dma_start3A_71 = tpu.memref_slice %arg2[%dma_start3A_69, %dma_start3A_70] : memref<65536x128xf32, #tpu.memory_space<hbm>> -> memref<65536x128xf32, #tpu.memory_space<hbm>>
    tpu.enqueue_indirect_dma source(%dma_start3A_71 : memref<65536x128xf32, #tpu.memory_space<hbm>>) target(%arg8 : memref<128x128xf32, #tpu.memory_space<vmem>>) offsets(%dma_start3A_68 : memref<128xi32, #tpu.memory_space<vmem>>) semaphore(%arg10 : memref<!tpu.dma_semaphore, #tpu.memory_space<semaphore_mem>>)
    %dma_start3A_72 = arith.constant 2 : i32
    %dma_start3A_73 = arith.constant 0 : i32
    %dma_start3A_74 = tpu.memref_slice %arg7[%dma_start3A_72, %dma_start3A_73] : memref<8x128xi32, #tpu.memory_space<vmem>> -> memref<1x128xi32, #tpu.memory_space<vmem>>
    %dma_start3A_75 = tpu.memref_squeeze %dma_start3A_74 : memref<1x128xi32, #tpu.memory_space<vmem>> -> memref<128xi32, #tpu.memory_space<vmem>>
    %dma_start3A_76 = arith.constant 0 : i32
    %dma_start3A_77 = arith.constant 0 : i32
    %dma_start3A_78 = tpu.memref_slice %arg3[%dma_start3A_76, %dma_start3A_77] : memref<65536x256xf32, #tpu.memory_space<hbm>> -> memref<65536x256xf32, #tpu.memory_space<hbm>>
    tpu.enqueue_indirect_dma source(%dma_start3A_78 : memref<65536x256xf32, #tpu.memory_space<hbm>>) target(%arg9 : memref<128x256xf32, #tpu.memory_space<vmem>>) offsets(%dma_start3A_75 : memref<128xi32, #tpu.memory_space<vmem>>) semaphore(%arg11 : memref<!tpu.dma_semaphore, #tpu.memory_space<semaphore_mem>>)
    %dma_wait3A_79 = arith.constant 2 : i32
    %dma_wait3A_80 = arith.constant 0 : i32
    %dma_wait3A_81 = tpu.memref_slice %arg7[%dma_wait3A_79, %dma_wait3A_80] : memref<8x128xi32, #tpu.memory_space<vmem>> -> memref<1x128xi32, #tpu.memory_space<vmem>>
    %dma_wait3A_82 = tpu.memref_squeeze %dma_wait3A_81 : memref<1x128xi32, #tpu.memory_space<vmem>> -> memref<128xi32, #tpu.memory_space<vmem>>
    %dma_wait3A_83 = arith.constant 0 : i32
    %dma_wait3A_84 = arith.constant 0 : i32
    %dma_wait3A_85 = tpu.memref_slice %arg2[%dma_wait3A_83, %dma_wait3A_84] : memref<65536x128xf32, #tpu.memory_space<hbm>> -> memref<65536x128xf32, #tpu.memory_space<hbm>>
    tpu.wait_indirect_dma semaphore(%arg10 : memref<!tpu.dma_semaphore, #tpu.memory_space<semaphore_mem>>) src(%dma_wait3A_85 : memref<65536x128xf32, #tpu.memory_space<hbm>>) dst(%arg8 : memref<128x128xf32, #tpu.memory_space<vmem>>)
    %dma_wait3A_86 = arith.constant 2 : i32
    %dma_wait3A_87 = arith.constant 0 : i32
    %dma_wait3A_88 = tpu.memref_slice %arg7[%dma_wait3A_86, %dma_wait3A_87] : memref<8x128xi32, #tpu.memory_space<vmem>> -> memref<1x128xi32, #tpu.memory_space<vmem>>
    %dma_wait3A_89 = tpu.memref_squeeze %dma_wait3A_88 : memref<1x128xi32, #tpu.memory_space<vmem>> -> memref<128xi32, #tpu.memory_space<vmem>>
    %dma_wait3A_90 = arith.constant 0 : i32
    %dma_wait3A_91 = arith.constant 0 : i32
    %dma_wait3A_92 = tpu.memref_slice %arg3[%dma_wait3A_90, %dma_wait3A_91] : memref<65536x256xf32, #tpu.memory_space<hbm>> -> memref<65536x256xf32, #tpu.memory_space<hbm>>
    tpu.wait_indirect_dma semaphore(%arg11 : memref<!tpu.dma_semaphore, #tpu.memory_space<semaphore_mem>>) src(%dma_wait3A_92 : memref<65536x256xf32, #tpu.memory_space<hbm>>) dst(%arg9 : memref<128x256xf32, #tpu.memory_space<vmem>>)
    %add3A_93 = arith.constant 256 : i32
    %add3A_94 = arith.addi %mul3A_2, %add3A_93 : i32
    "tpu.region"() ({
      %run_scoped3A = tpu.sem_alloc : memref<!tpu.dma_semaphore, #tpu.memory_space<semaphore_mem>>
      %dma_start3A_257 = arith.constant 0 : i32
      %dma_start3A_258 = tpu.memref_slice %arg5[%add3A_94, %dma_start3A_257] : memref<32768x128xf32, #tpu.memory_space<hbm>> -> memref<128x128xf32, #tpu.memory_space<hbm>>
      %dma_start3A_259 = arith.constant 0 : i32
      %dma_start3A_260 = tpu.memref_slice %arg5[%add3A_94, %dma_start3A_259] : memref<32768x128xf32, #tpu.memory_space<hbm>> -> memref<128x128xf32, #tpu.memory_space<hbm>>
      tpu.enqueue_dma source(%arg8 : memref<128x128xf32, #tpu.memory_space<vmem>>) target(%dma_start3A_260 : memref<128x128xf32, #tpu.memory_space<hbm>>) target_semaphore(%run_scoped3A : memref<!tpu.dma_semaphore, #tpu.memory_space<semaphore_mem>>)
      %dma_wait3A_261 = arith.constant 0 : i32
      %dma_wait3A_262 = tpu.memref_slice %arg5[%add3A_94, %dma_wait3A_261] : memref<32768x128xf32, #tpu.memory_space<hbm>> -> memref<128x128xf32, #tpu.memory_space<hbm>>
      %dma_wait3A_263 = arith.constant 0 : i32
      %dma_wait3A_264 = tpu.memref_slice %arg5[%add3A_94, %dma_wait3A_263] : memref<32768x128xf32, #tpu.memory_space<hbm>> -> memref<128x128xf32, #tpu.memory_space<hbm>>
      tpu.wait_dma2 semaphore(%run_scoped3A : memref<!tpu.dma_semaphore, #tpu.memory_space<semaphore_mem>>) src(%arg8 : memref<128x128xf32, #tpu.memory_space<vmem>>) dst(%dma_wait3A_264 : memref<128x128xf32, #tpu.memory_space<hbm>>)
      tpu.yield
    }) : () -> ()
    %add3A_95 = arith.constant 256 : i32
    %add3A_96 = arith.addi %mul3A_2, %add3A_95 : i32
    "tpu.region"() ({
      %run_scoped3A = tpu.sem_alloc : memref<!tpu.dma_semaphore, #tpu.memory_space<semaphore_mem>>
      %dma_start3A_257 = arith.constant 0 : i32
      %dma_start3A_258 = tpu.memref_slice %arg6[%add3A_96, %dma_start3A_257] : memref<32768x256xf32, #tpu.memory_space<hbm>> -> memref<128x256xf32, #tpu.memory_space<hbm>>
      %dma_start3A_259 = arith.constant 0 : i32
      %dma_start3A_260 = tpu.memref_slice %arg6[%add3A_96, %dma_start3A_259] : memref<32768x256xf32, #tpu.memory_space<hbm>> -> memref<128x256xf32, #tpu.memory_space<hbm>>
      tpu.enqueue_dma source(%arg9 : memref<128x256xf32, #tpu.memory_space<vmem>>) target(%dma_start3A_260 : memref<128x256xf32, #tpu.memory_space<hbm>>) target_semaphore(%run_scoped3A : memref<!tpu.dma_semaphore, #tpu.memory_space<semaphore_mem>>)
      %dma_wait3A_261 = arith.constant 0 : i32
      %dma_wait3A_262 = tpu.memref_slice %arg6[%add3A_96, %dma_wait3A_261] : memref<32768x256xf32, #tpu.memory_space<hbm>> -> memref<128x256xf32, #tpu.memory_space<hbm>>
      %dma_wait3A_263 = arith.constant 0 : i32
      %dma_wait3A_264 = tpu.memref_slice %arg6[%add3A_96, %dma_wait3A_263] : memref<32768x256xf32, #tpu.memory_space<hbm>> -> memref<128x256xf32, #tpu.memory_space<hbm>>
      tpu.wait_dma2 semaphore(%run_scoped3A : memref<!tpu.dma_semaphore, #tpu.memory_space<semaphore_mem>>) src(%arg9 : memref<128x256xf32, #tpu.memory_space<vmem>>) dst(%dma_wait3A_264 : memref<128x256xf32, #tpu.memory_space<hbm>>)
      tpu.yield
    }) : () -> ()
    %dma_start3A_97 = arith.constant 3 : i32
    %dma_start3A_98 = arith.constant 0 : i32
    %dma_start3A_99 = tpu.memref_slice %arg7[%dma_start3A_97, %dma_start3A_98] : memref<8x128xi32, #tpu.memory_space<vmem>> -> memref<1x128xi32, #tpu.memory_space<vmem>>
    %dma_start3A_100 = tpu.memref_squeeze %dma_start3A_99 : memref<1x128xi32, #tpu.memory_space<vmem>> -> memref<128xi32, #tpu.memory_space<vmem>>
    %dma_start3A_101 = arith.constant 0 : i32
    %dma_start3A_102 = arith.constant 0 : i32
    %dma_start3A_103 = tpu.memref_slice %arg2[%dma_start3A_101, %dma_start3A_102] : memref<65536x128xf32, #tpu.memory_space<hbm>> -> memref<65536x128xf32, #tpu.memory_space<hbm>>
    tpu.enqueue_indirect_dma source(%dma_start3A_103 : memref<65536x128xf32, #tpu.memory_space<hbm>>) target(%arg8 : memref<128x128xf32, #tpu.memory_space<vmem>>) offsets(%dma_start3A_100 : memref<128xi32, #tpu.memory_space<vmem>>) semaphore(%arg10 : memref<!tpu.dma_semaphore, #tpu.memory_space<semaphore_mem>>)
    %dma_start3A_104 = arith.constant 3 : i32
    %dma_start3A_105 = arith.constant 0 : i32
    %dma_start3A_106 = tpu.memref_slice %arg7[%dma_start3A_104, %dma_start3A_105] : memref<8x128xi32, #tpu.memory_space<vmem>> -> memref<1x128xi32, #tpu.memory_space<vmem>>
    %dma_start3A_107 = tpu.memref_squeeze %dma_start3A_106 : memref<1x128xi32, #tpu.memory_space<vmem>> -> memref<128xi32, #tpu.memory_space<vmem>>
    %dma_start3A_108 = arith.constant 0 : i32
    %dma_start3A_109 = arith.constant 0 : i32
    %dma_start3A_110 = tpu.memref_slice %arg3[%dma_start3A_108, %dma_start3A_109] : memref<65536x256xf32, #tpu.memory_space<hbm>> -> memref<65536x256xf32, #tpu.memory_space<hbm>>
    tpu.enqueue_indirect_dma source(%dma_start3A_110 : memref<65536x256xf32, #tpu.memory_space<hbm>>) target(%arg9 : memref<128x256xf32, #tpu.memory_space<vmem>>) offsets(%dma_start3A_107 : memref<128xi32, #tpu.memory_space<vmem>>) semaphore(%arg11 : memref<!tpu.dma_semaphore, #tpu.memory_space<semaphore_mem>>)
    %dma_wait3A_111 = arith.constant 3 : i32
    %dma_wait3A_112 = arith.constant 0 : i32
    %dma_wait3A_113 = tpu.memref_slice %arg7[%dma_wait3A_111, %dma_wait3A_112] : memref<8x128xi32, #tpu.memory_space<vmem>> -> memref<1x128xi32, #tpu.memory_space<vmem>>
    %dma_wait3A_114 = tpu.memref_squeeze %dma_wait3A_113 : memref<1x128xi32, #tpu.memory_space<vmem>> -> memref<128xi32, #tpu.memory_space<vmem>>
    %dma_wait3A_115 = arith.constant 0 : i32
    %dma_wait3A_116 = arith.constant 0 : i32
    %dma_wait3A_117 = tpu.memref_slice %arg2[%dma_wait3A_115, %dma_wait3A_116] : memref<65536x128xf32, #tpu.memory_space<hbm>> -> memref<65536x128xf32, #tpu.memory_space<hbm>>
    tpu.wait_indirect_dma semaphore(%arg10 : memref<!tpu.dma_semaphore, #tpu.memory_space<semaphore_mem>>) src(%dma_wait3A_117 : memref<65536x128xf32, #tpu.memory_space<hbm>>) dst(%arg8 : memref<128x128xf32, #tpu.memory_space<vmem>>)
    %dma_wait3A_118 = arith.constant 3 : i32
    %dma_wait3A_119 = arith.constant 0 : i32
    %dma_wait3A_120 = tpu.memref_slice %arg7[%dma_wait3A_118, %dma_wait3A_119] : memref<8x128xi32, #tpu.memory_space<vmem>> -> memref<1x128xi32, #tpu.memory_space<vmem>>
    %dma_wait3A_121 = tpu.memref_squeeze %dma_wait3A_120 : memref<1x128xi32, #tpu.memory_space<vmem>> -> memref<128xi32, #tpu.memory_space<vmem>>
    %dma_wait3A_122 = arith.constant 0 : i32
    %dma_wait3A_123 = arith.constant 0 : i32
    %dma_wait3A_124 = tpu.memref_slice %arg3[%dma_wait3A_122, %dma_wait3A_123] : memref<65536x256xf32, #tpu.memory_space<hbm>> -> memref<65536x256xf32, #tpu.memory_space<hbm>>
    tpu.wait_indirect_dma semaphore(%arg11 : memref<!tpu.dma_semaphore, #tpu.memory_space<semaphore_mem>>) src(%dma_wait3A_124 : memref<65536x256xf32, #tpu.memory_space<hbm>>) dst(%arg9 : memref<128x256xf32, #tpu.memory_space<vmem>>)
    %add3A_125 = arith.constant 384 : i32
    %add3A_126 = arith.addi %mul3A_2, %add3A_125 : i32
    "tpu.region"() ({
      %run_scoped3A = tpu.sem_alloc : memref<!tpu.dma_semaphore, #tpu.memory_space<semaphore_mem>>
      %dma_start3A_257 = arith.constant 0 : i32
      %dma_start3A_258 = tpu.memref_slice %arg5[%add3A_126, %dma_start3A_257] : memref<32768x128xf32, #tpu.memory_space<hbm>> -> memref<128x128xf32, #tpu.memory_space<hbm>>
      %dma_start3A_259 = arith.constant 0 : i32
      %dma_start3A_260 = tpu.memref_slice %arg5[%add3A_126, %dma_start3A_259] : memref<32768x128xf32, #tpu.memory_space<hbm>> -> memref<128x128xf32, #tpu.memory_space<hbm>>
      tpu.enqueue_dma source(%arg8 : memref<128x128xf32, #tpu.memory_space<vmem>>) target(%dma_start3A_260 : memref<128x128xf32, #tpu.memory_space<hbm>>) target_semaphore(%run_scoped3A : memref<!tpu.dma_semaphore, #tpu.memory_space<semaphore_mem>>)
      %dma_wait3A_261 = arith.constant 0 : i32
      %dma_wait3A_262 = tpu.memref_slice %arg5[%add3A_126, %dma_wait3A_261] : memref<32768x128xf32, #tpu.memory_space<hbm>> -> memref<128x128xf32, #tpu.memory_space<hbm>>
      %dma_wait3A_263 = arith.constant 0 : i32
      %dma_wait3A_264 = tpu.memref_slice %arg5[%add3A_126, %dma_wait3A_263] : memref<32768x128xf32, #tpu.memory_space<hbm>> -> memref<128x128xf32, #tpu.memory_space<hbm>>
      tpu.wait_dma2 semaphore(%run_scoped3A : memref<!tpu.dma_semaphore, #tpu.memory_space<semaphore_mem>>) src(%arg8 : memref<128x128xf32, #tpu.memory_space<vmem>>) dst(%dma_wait3A_264 : memref<128x128xf32, #tpu.memory_space<hbm>>)
      tpu.yield
    }) : () -> ()
    %add3A_127 = arith.constant 384 : i32
    %add3A_128 = arith.addi %mul3A_2, %add3A_127 : i32
    "tpu.region"() ({
      %run_scoped3A = tpu.sem_alloc : memref<!tpu.dma_semaphore, #tpu.memory_space<semaphore_mem>>
      %dma_start3A_257 = arith.constant 0 : i32
      %dma_start3A_258 = tpu.memref_slice %arg6[%add3A_128, %dma_start3A_257] : memref<32768x256xf32, #tpu.memory_space<hbm>> -> memref<128x256xf32, #tpu.memory_space<hbm>>
      %dma_start3A_259 = arith.constant 0 : i32
      %dma_start3A_260 = tpu.memref_slice %arg6[%add3A_128, %dma_start3A_259] : memref<32768x256xf32, #tpu.memory_space<hbm>> -> memref<128x256xf32, #tpu.memory_space<hbm>>
      tpu.enqueue_dma source(%arg9 : memref<128x256xf32, #tpu.memory_space<vmem>>) target(%dma_start3A_260 : memref<128x256xf32, #tpu.memory_space<hbm>>) target_semaphore(%run_scoped3A : memref<!tpu.dma_semaphore, #tpu.memory_space<semaphore_mem>>)
      %dma_wait3A_261 = arith.constant 0 : i32
      %dma_wait3A_262 = tpu.memref_slice %arg6[%add3A_128, %dma_wait3A_261] : memref<32768x256xf32, #tpu.memory_space<hbm>> -> memref<128x256xf32, #tpu.memory_space<hbm>>
      %dma_wait3A_263 = arith.constant 0 : i32
      %dma_wait3A_264 = tpu.memref_slice %arg6[%add3A_128, %dma_wait3A_263] : memref<32768x256xf32, #tpu.memory_space<hbm>> -> memref<128x256xf32, #tpu.memory_space<hbm>>
      tpu.wait_dma2 semaphore(%run_scoped3A : memref<!tpu.dma_semaphore, #tpu.memory_space<semaphore_mem>>) src(%arg9 : memref<128x256xf32, #tpu.memory_space<vmem>>) dst(%dma_wait3A_264 : memref<128x256xf32, #tpu.memory_space<hbm>>)
      tpu.yield
    }) : () -> ()
    %dma_start3A_129 = arith.constant 4 : i32
    %dma_start3A_130 = arith.constant 0 : i32
    %dma_start3A_131 = tpu.memref_slice %arg7[%dma_start3A_129, %dma_start3A_130] : memref<8x128xi32, #tpu.memory_space<vmem>> -> memref<1x128xi32, #tpu.memory_space<vmem>>
    %dma_start3A_132 = tpu.memref_squeeze %dma_start3A_131 : memref<1x128xi32, #tpu.memory_space<vmem>> -> memref<128xi32, #tpu.memory_space<vmem>>
    %dma_start3A_133 = arith.constant 0 : i32
    %dma_start3A_134 = arith.constant 0 : i32
    %dma_start3A_135 = tpu.memref_slice %arg2[%dma_start3A_133, %dma_start3A_134] : memref<65536x128xf32, #tpu.memory_space<hbm>> -> memref<65536x128xf32, #tpu.memory_space<hbm>>
    tpu.enqueue_indirect_dma source(%dma_start3A_135 : memref<65536x128xf32, #tpu.memory_space<hbm>>) target(%arg8 : memref<128x128xf32, #tpu.memory_space<vmem>>) offsets(%dma_start3A_132 : memref<128xi32, #tpu.memory_space<vmem>>) semaphore(%arg10 : memref<!tpu.dma_semaphore, #tpu.memory_space<semaphore_mem>>)
    %dma_start3A_136 = arith.constant 4 : i32
    %dma_start3A_137 = arith.constant 0 : i32
    %dma_start3A_138 = tpu.memref_slice %arg7[%dma_start3A_136, %dma_start3A_137] : memref<8x128xi32, #tpu.memory_space<vmem>> -> memref<1x128xi32, #tpu.memory_space<vmem>>
    %dma_start3A_139 = tpu.memref_squeeze %dma_start3A_138 : memref<1x128xi32, #tpu.memory_space<vmem>> -> memref<128xi32, #tpu.memory_space<vmem>>
    %dma_start3A_140 = arith.constant 0 : i32
    %dma_start3A_141 = arith.constant 0 : i32
    %dma_start3A_142 = tpu.memref_slice %arg3[%dma_start3A_140, %dma_start3A_141] : memref<65536x256xf32, #tpu.memory_space<hbm>> -> memref<65536x256xf32, #tpu.memory_space<hbm>>
    tpu.enqueue_indirect_dma source(%dma_start3A_142 : memref<65536x256xf32, #tpu.memory_space<hbm>>) target(%arg9 : memref<128x256xf32, #tpu.memory_space<vmem>>) offsets(%dma_start3A_139 : memref<128xi32, #tpu.memory_space<vmem>>) semaphore(%arg11 : memref<!tpu.dma_semaphore, #tpu.memory_space<semaphore_mem>>)
    %dma_wait3A_143 = arith.constant 4 : i32
    %dma_wait3A_144 = arith.constant 0 : i32
    %dma_wait3A_145 = tpu.memref_slice %arg7[%dma_wait3A_143, %dma_wait3A_144] : memref<8x128xi32, #tpu.memory_space<vmem>> -> memref<1x128xi32, #tpu.memory_space<vmem>>
    %dma_wait3A_146 = tpu.memref_squeeze %dma_wait3A_145 : memref<1x128xi32, #tpu.memory_space<vmem>> -> memref<128xi32, #tpu.memory_space<vmem>>
    %dma_wait3A_147 = arith.constant 0 : i32
    %dma_wait3A_148 = arith.constant 0 : i32
    %dma_wait3A_149 = tpu.memref_slice %arg2[%dma_wait3A_147, %dma_wait3A_148] : memref<65536x128xf32, #tpu.memory_space<hbm>> -> memref<65536x128xf32, #tpu.memory_space<hbm>>
    tpu.wait_indirect_dma semaphore(%arg10 : memref<!tpu.dma_semaphore, #tpu.memory_space<semaphore_mem>>) src(%dma_wait3A_149 : memref<65536x128xf32, #tpu.memory_space<hbm>>) dst(%arg8 : memref<128x128xf32, #tpu.memory_space<vmem>>)
    %dma_wait3A_150 = arith.constant 4 : i32
    %dma_wait3A_151 = arith.constant 0 : i32
    %dma_wait3A_152 = tpu.memref_slice %arg7[%dma_wait3A_150, %dma_wait3A_151] : memref<8x128xi32, #tpu.memory_space<vmem>> -> memref<1x128xi32, #tpu.memory_space<vmem>>
    %dma_wait3A_153 = tpu.memref_squeeze %dma_wait3A_152 : memref<1x128xi32, #tpu.memory_space<vmem>> -> memref<128xi32, #tpu.memory_space<vmem>>
    %dma_wait3A_154 = arith.constant 0 : i32
    %dma_wait3A_155 = arith.constant 0 : i32
    %dma_wait3A_156 = tpu.memref_slice %arg3[%dma_wait3A_154, %dma_wait3A_155] : memref<65536x256xf32, #tpu.memory_space<hbm>> -> memref<65536x256xf32, #tpu.memory_space<hbm>>
    tpu.wait_indirect_dma semaphore(%arg11 : memref<!tpu.dma_semaphore, #tpu.memory_space<semaphore_mem>>) src(%dma_wait3A_156 : memref<65536x256xf32, #tpu.memory_space<hbm>>) dst(%arg9 : memref<128x256xf32, #tpu.memory_space<vmem>>)
    %add3A_157 = arith.constant 512 : i32
    %add3A_158 = arith.addi %mul3A_2, %add3A_157 : i32
    "tpu.region"() ({
      %run_scoped3A = tpu.sem_alloc : memref<!tpu.dma_semaphore, #tpu.memory_space<semaphore_mem>>
      %dma_start3A_257 = arith.constant 0 : i32
      %dma_start3A_258 = tpu.memref_slice %arg5[%add3A_158, %dma_start3A_257] : memref<32768x128xf32, #tpu.memory_space<hbm>> -> memref<128x128xf32, #tpu.memory_space<hbm>>
      %dma_start3A_259 = arith.constant 0 : i32
      %dma_start3A_260 = tpu.memref_slice %arg5[%add3A_158, %dma_start3A_259] : memref<32768x128xf32, #tpu.memory_space<hbm>> -> memref<128x128xf32, #tpu.memory_space<hbm>>
      tpu.enqueue_dma source(%arg8 : memref<128x128xf32, #tpu.memory_space<vmem>>) target(%dma_start3A_260 : memref<128x128xf32, #tpu.memory_space<hbm>>) target_semaphore(%run_scoped3A : memref<!tpu.dma_semaphore, #tpu.memory_space<semaphore_mem>>)
      %dma_wait3A_261 = arith.constant 0 : i32
      %dma_wait3A_262 = tpu.memref_slice %arg5[%add3A_158, %dma_wait3A_261] : memref<32768x128xf32, #tpu.memory_space<hbm>> -> memref<128x128xf32, #tpu.memory_space<hbm>>
      %dma_wait3A_263 = arith.constant 0 : i32
      %dma_wait3A_264 = tpu.memref_slice %arg5[%add3A_158, %dma_wait3A_263] : memref<32768x128xf32, #tpu.memory_space<hbm>> -> memref<128x128xf32, #tpu.memory_space<hbm>>
      tpu.wait_dma2 semaphore(%run_scoped3A : memref<!tpu.dma_semaphore, #tpu.memory_space<semaphore_mem>>) src(%arg8 : memref<128x128xf32, #tpu.memory_space<vmem>>) dst(%dma_wait3A_264 : memref<128x128xf32, #tpu.memory_space<hbm>>)
      tpu.yield
    }) : () -> ()
    %add3A_159 = arith.constant 512 : i32
    %add3A_160 = arith.addi %mul3A_2, %add3A_159 : i32
    "tpu.region"() ({
      %run_scoped3A = tpu.sem_alloc : memref<!tpu.dma_semaphore, #tpu.memory_space<semaphore_mem>>
      %dma_start3A_257 = arith.constant 0 : i32
      %dma_start3A_258 = tpu.memref_slice %arg6[%add3A_160, %dma_start3A_257] : memref<32768x256xf32, #tpu.memory_space<hbm>> -> memref<128x256xf32, #tpu.memory_space<hbm>>
      %dma_start3A_259 = arith.constant 0 : i32
      %dma_start3A_260 = tpu.memref_slice %arg6[%add3A_160, %dma_start3A_259] : memref<32768x256xf32, #tpu.memory_space<hbm>> -> memref<128x256xf32, #tpu.memory_space<hbm>>
      tpu.enqueue_dma source(%arg9 : memref<128x256xf32, #tpu.memory_space<vmem>>) target(%dma_start3A_260 : memref<128x256xf32, #tpu.memory_space<hbm>>) target_semaphore(%run_scoped3A : memref<!tpu.dma_semaphore, #tpu.memory_space<semaphore_mem>>)
      %dma_wait3A_261 = arith.constant 0 : i32
      %dma_wait3A_262 = tpu.memref_slice %arg6[%add3A_160, %dma_wait3A_261] : memref<32768x256xf32, #tpu.memory_space<hbm>> -> memref<128x256xf32, #tpu.memory_space<hbm>>
      %dma_wait3A_263 = arith.constant 0 : i32
      %dma_wait3A_264 = tpu.memref_slice %arg6[%add3A_160, %dma_wait3A_263] : memref<32768x256xf32, #tpu.memory_space<hbm>> -> memref<128x256xf32, #tpu.memory_space<hbm>>
      tpu.wait_dma2 semaphore(%run_scoped3A : memref<!tpu.dma_semaphore, #tpu.memory_space<semaphore_mem>>) src(%arg9 : memref<128x256xf32, #tpu.memory_space<vmem>>) dst(%dma_wait3A_264 : memref<128x256xf32, #tpu.memory_space<hbm>>)
      tpu.yield
    }) : () -> ()
    %dma_start3A_161 = arith.constant 5 : i32
    %dma_start3A_162 = arith.constant 0 : i32
    %dma_start3A_163 = tpu.memref_slice %arg7[%dma_start3A_161, %dma_start3A_162] : memref<8x128xi32, #tpu.memory_space<vmem>> -> memref<1x128xi32, #tpu.memory_space<vmem>>
    %dma_start3A_164 = tpu.memref_squeeze %dma_start3A_163 : memref<1x128xi32, #tpu.memory_space<vmem>> -> memref<128xi32, #tpu.memory_space<vmem>>
    %dma_start3A_165 = arith.constant 0 : i32
    %dma_start3A_166 = arith.constant 0 : i32
    %dma_start3A_167 = tpu.memref_slice %arg2[%dma_start3A_165, %dma_start3A_166] : memref<65536x128xf32, #tpu.memory_space<hbm>> -> memref<65536x128xf32, #tpu.memory_space<hbm>>
    tpu.enqueue_indirect_dma source(%dma_start3A_167 : memref<65536x128xf32, #tpu.memory_space<hbm>>) target(%arg8 : memref<128x128xf32, #tpu.memory_space<vmem>>) offsets(%dma_start3A_164 : memref<128xi32, #tpu.memory_space<vmem>>) semaphore(%arg10 : memref<!tpu.dma_semaphore, #tpu.memory_space<semaphore_mem>>)
    %dma_start3A_168 = arith.constant 5 : i32
    %dma_start3A_169 = arith.constant 0 : i32
    %dma_start3A_170 = tpu.memref_slice %arg7[%dma_start3A_168, %dma_start3A_169] : memref<8x128xi32, #tpu.memory_space<vmem>> -> memref<1x128xi32, #tpu.memory_space<vmem>>
    %dma_start3A_171 = tpu.memref_squeeze %dma_start3A_170 : memref<1x128xi32, #tpu.memory_space<vmem>> -> memref<128xi32, #tpu.memory_space<vmem>>
    %dma_start3A_172 = arith.constant 0 : i32
    %dma_start3A_173 = arith.constant 0 : i32
    %dma_start3A_174 = tpu.memref_slice %arg3[%dma_start3A_172, %dma_start3A_173] : memref<65536x256xf32, #tpu.memory_space<hbm>> -> memref<65536x256xf32, #tpu.memory_space<hbm>>
    tpu.enqueue_indirect_dma source(%dma_start3A_174 : memref<65536x256xf32, #tpu.memory_space<hbm>>) target(%arg9 : memref<128x256xf32, #tpu.memory_space<vmem>>) offsets(%dma_start3A_171 : memref<128xi32, #tpu.memory_space<vmem>>) semaphore(%arg11 : memref<!tpu.dma_semaphore, #tpu.memory_space<semaphore_mem>>)
    %dma_wait3A_175 = arith.constant 5 : i32
    %dma_wait3A_176 = arith.constant 0 : i32
    %dma_wait3A_177 = tpu.memref_slice %arg7[%dma_wait3A_175, %dma_wait3A_176] : memref<8x128xi32, #tpu.memory_space<vmem>> -> memref<1x128xi32, #tpu.memory_space<vmem>>
    %dma_wait3A_178 = tpu.memref_squeeze %dma_wait3A_177 : memref<1x128xi32, #tpu.memory_space<vmem>> -> memref<128xi32, #tpu.memory_space<vmem>>
    %dma_wait3A_179 = arith.constant 0 : i32
    %dma_wait3A_180 = arith.constant 0 : i32
    %dma_wait3A_181 = tpu.memref_slice %arg2[%dma_wait3A_179, %dma_wait3A_180] : memref<65536x128xf32, #tpu.memory_space<hbm>> -> memref<65536x128xf32, #tpu.memory_space<hbm>>
    tpu.wait_indirect_dma semaphore(%arg10 : memref<!tpu.dma_semaphore, #tpu.memory_space<semaphore_mem>>) src(%dma_wait3A_181 : memref<65536x128xf32, #tpu.memory_space<hbm>>) dst(%arg8 : memref<128x128xf32, #tpu.memory_space<vmem>>)
    %dma_wait3A_182 = arith.constant 5 : i32
    %dma_wait3A_183 = arith.constant 0 : i32
    %dma_wait3A_184 = tpu.memref_slice %arg7[%dma_wait3A_182, %dma_wait3A_183] : memref<8x128xi32, #tpu.memory_space<vmem>> -> memref<1x128xi32, #tpu.memory_space<vmem>>
    %dma_wait3A_185 = tpu.memref_squeeze %dma_wait3A_184 : memref<1x128xi32, #tpu.memory_space<vmem>> -> memref<128xi32, #tpu.memory_space<vmem>>
    %dma_wait3A_186 = arith.constant 0 : i32
    %dma_wait3A_187 = arith.constant 0 : i32
    %dma_wait3A_188 = tpu.memref_slice %arg3[%dma_wait3A_186, %dma_wait3A_187] : memref<65536x256xf32, #tpu.memory_space<hbm>> -> memref<65536x256xf32, #tpu.memory_space<hbm>>
    tpu.wait_indirect_dma semaphore(%arg11 : memref<!tpu.dma_semaphore, #tpu.memory_space<semaphore_mem>>) src(%dma_wait3A_188 : memref<65536x256xf32, #tpu.memory_space<hbm>>) dst(%arg9 : memref<128x256xf32, #tpu.memory_space<vmem>>)
    %add3A_189 = arith.constant 640 : i32
    %add3A_190 = arith.addi %mul3A_2, %add3A_189 : i32
    "tpu.region"() ({
      %run_scoped3A = tpu.sem_alloc : memref<!tpu.dma_semaphore, #tpu.memory_space<semaphore_mem>>
      %dma_start3A_257 = arith.constant 0 : i32
      %dma_start3A_258 = tpu.memref_slice %arg5[%add3A_190, %dma_start3A_257] : memref<32768x128xf32, #tpu.memory_space<hbm>> -> memref<128x128xf32, #tpu.memory_space<hbm>>
      %dma_start3A_259 = arith.constant 0 : i32
      %dma_start3A_260 = tpu.memref_slice %arg5[%add3A_190, %dma_start3A_259] : memref<32768x128xf32, #tpu.memory_space<hbm>> -> memref<128x128xf32, #tpu.memory_space<hbm>>
      tpu.enqueue_dma source(%arg8 : memref<128x128xf32, #tpu.memory_space<vmem>>) target(%dma_start3A_260 : memref<128x128xf32, #tpu.memory_space<hbm>>) target_semaphore(%run_scoped3A : memref<!tpu.dma_semaphore, #tpu.memory_space<semaphore_mem>>)
      %dma_wait3A_261 = arith.constant 0 : i32
      %dma_wait3A_262 = tpu.memref_slice %arg5[%add3A_190, %dma_wait3A_261] : memref<32768x128xf32, #tpu.memory_space<hbm>> -> memref<128x128xf32, #tpu.memory_space<hbm>>
      %dma_wait3A_263 = arith.constant 0 : i32
      %dma_wait3A_264 = tpu.memref_slice %arg5[%add3A_190, %dma_wait3A_263] : memref<32768x128xf32, #tpu.memory_space<hbm>> -> memref<128x128xf32, #tpu.memory_space<hbm>>
      tpu.wait_dma2 semaphore(%run_scoped3A : memref<!tpu.dma_semaphore, #tpu.memory_space<semaphore_mem>>) src(%arg8 : memref<128x128xf32, #tpu.memory_space<vmem>>) dst(%dma_wait3A_264 : memref<128x128xf32, #tpu.memory_space<hbm>>)
      tpu.yield
    }) : () -> ()
    %add3A_191 = arith.constant 640 : i32
    %add3A_192 = arith.addi %mul3A_2, %add3A_191 : i32
    "tpu.region"() ({
      %run_scoped3A = tpu.sem_alloc : memref<!tpu.dma_semaphore, #tpu.memory_space<semaphore_mem>>
      %dma_start3A_257 = arith.constant 0 : i32
      %dma_start3A_258 = tpu.memref_slice %arg6[%add3A_192, %dma_start3A_257] : memref<32768x256xf32, #tpu.memory_space<hbm>> -> memref<128x256xf32, #tpu.memory_space<hbm>>
      %dma_start3A_259 = arith.constant 0 : i32
      %dma_start3A_260 = tpu.memref_slice %arg6[%add3A_192, %dma_start3A_259] : memref<32768x256xf32, #tpu.memory_space<hbm>> -> memref<128x256xf32, #tpu.memory_space<hbm>>
      tpu.enqueue_dma source(%arg9 : memref<128x256xf32, #tpu.memory_space<vmem>>) target(%dma_start3A_260 : memref<128x256xf32, #tpu.memory_space<hbm>>) target_semaphore(%run_scoped3A : memref<!tpu.dma_semaphore, #tpu.memory_space<semaphore_mem>>)
      %dma_wait3A_261 = arith.constant 0 : i32
      %dma_wait3A_262 = tpu.memref_slice %arg6[%add3A_192, %dma_wait3A_261] : memref<32768x256xf32, #tpu.memory_space<hbm>> -> memref<128x256xf32, #tpu.memory_space<hbm>>
      %dma_wait3A_263 = arith.constant 0 : i32
      %dma_wait3A_264 = tpu.memref_slice %arg6[%add3A_192, %dma_wait3A_263] : memref<32768x256xf32, #tpu.memory_space<hbm>> -> memref<128x256xf32, #tpu.memory_space<hbm>>
      tpu.wait_dma2 semaphore(%run_scoped3A : memref<!tpu.dma_semaphore, #tpu.memory_space<semaphore_mem>>) src(%arg9 : memref<128x256xf32, #tpu.memory_space<vmem>>) dst(%dma_wait3A_264 : memref<128x256xf32, #tpu.memory_space<hbm>>)
      tpu.yield
    }) : () -> ()
    %dma_start3A_193 = arith.constant 6 : i32
    %dma_start3A_194 = arith.constant 0 : i32
    %dma_start3A_195 = tpu.memref_slice %arg7[%dma_start3A_193, %dma_start3A_194] : memref<8x128xi32, #tpu.memory_space<vmem>> -> memref<1x128xi32, #tpu.memory_space<vmem>>
    %dma_start3A_196 = tpu.memref_squeeze %dma_start3A_195 : memref<1x128xi32, #tpu.memory_space<vmem>> -> memref<128xi32, #tpu.memory_space<vmem>>
    %dma_start3A_197 = arith.constant 0 : i32
    %dma_start3A_198 = arith.constant 0 : i32
    %dma_start3A_199 = tpu.memref_slice %arg2[%dma_start3A_197, %dma_start3A_198] : memref<65536x128xf32, #tpu.memory_space<hbm>> -> memref<65536x128xf32, #tpu.memory_space<hbm>>
    tpu.enqueue_indirect_dma source(%dma_start3A_199 : memref<65536x128xf32, #tpu.memory_space<hbm>>) target(%arg8 : memref<128x128xf32, #tpu.memory_space<vmem>>) offsets(%dma_start3A_196 : memref<128xi32, #tpu.memory_space<vmem>>) semaphore(%arg10 : memref<!tpu.dma_semaphore, #tpu.memory_space<semaphore_mem>>)
    %dma_start3A_200 = arith.constant 6 : i32
    %dma_start3A_201 = arith.constant 0 : i32
    %dma_start3A_202 = tpu.memref_slice %arg7[%dma_start3A_200, %dma_start3A_201] : memref<8x128xi32, #tpu.memory_space<vmem>> -> memref<1x128xi32, #tpu.memory_space<vmem>>
    %dma_start3A_203 = tpu.memref_squeeze %dma_start3A_202 : memref<1x128xi32, #tpu.memory_space<vmem>> -> memref<128xi32, #tpu.memory_space<vmem>>
    %dma_start3A_204 = arith.constant 0 : i32
    %dma_start3A_205 = arith.constant 0 : i32
    %dma_start3A_206 = tpu.memref_slice %arg3[%dma_start3A_204, %dma_start3A_205] : memref<65536x256xf32, #tpu.memory_space<hbm>> -> memref<65536x256xf32, #tpu.memory_space<hbm>>
    tpu.enqueue_indirect_dma source(%dma_start3A_206 : memref<65536x256xf32, #tpu.memory_space<hbm>>) target(%arg9 : memref<128x256xf32, #tpu.memory_space<vmem>>) offsets(%dma_start3A_203 : memref<128xi32, #tpu.memory_space<vmem>>) semaphore(%arg11 : memref<!tpu.dma_semaphore, #tpu.memory_space<semaphore_mem>>)
    %dma_wait3A_207 = arith.constant 6 : i32
    %dma_wait3A_208 = arith.constant 0 : i32
    %dma_wait3A_209 = tpu.memref_slice %arg7[%dma_wait3A_207, %dma_wait3A_208] : memref<8x128xi32, #tpu.memory_space<vmem>> -> memref<1x128xi32, #tpu.memory_space<vmem>>
    %dma_wait3A_210 = tpu.memref_squeeze %dma_wait3A_209 : memref<1x128xi32, #tpu.memory_space<vmem>> -> memref<128xi32, #tpu.memory_space<vmem>>
    %dma_wait3A_211 = arith.constant 0 : i32
    %dma_wait3A_212 = arith.constant 0 : i32
    %dma_wait3A_213 = tpu.memref_slice %arg2[%dma_wait3A_211, %dma_wait3A_212] : memref<65536x128xf32, #tpu.memory_space<hbm>> -> memref<65536x128xf32, #tpu.memory_space<hbm>>
    tpu.wait_indirect_dma semaphore(%arg10 : memref<!tpu.dma_semaphore, #tpu.memory_space<semaphore_mem>>) src(%dma_wait3A_213 : memref<65536x128xf32, #tpu.memory_space<hbm>>) dst(%arg8 : memref<128x128xf32, #tpu.memory_space<vmem>>)
    %dma_wait3A_214 = arith.constant 6 : i32
    %dma_wait3A_215 = arith.constant 0 : i32
    %dma_wait3A_216 = tpu.memref_slice %arg7[%dma_wait3A_214, %dma_wait3A_215] : memref<8x128xi32, #tpu.memory_space<vmem>> -> memref<1x128xi32, #tpu.memory_space<vmem>>
    %dma_wait3A_217 = tpu.memref_squeeze %dma_wait3A_216 : memref<1x128xi32, #tpu.memory_space<vmem>> -> memref<128xi32, #tpu.memory_space<vmem>>
    %dma_wait3A_218 = arith.constant 0 : i32
    %dma_wait3A_219 = arith.constant 0 : i32
    %dma_wait3A_220 = tpu.memref_slice %arg3[%dma_wait3A_218, %dma_wait3A_219] : memref<65536x256xf32, #tpu.memory_space<hbm>> -> memref<65536x256xf32, #tpu.memory_space<hbm>>
    tpu.wait_indirect_dma semaphore(%arg11 : memref<!tpu.dma_semaphore, #tpu.memory_space<semaphore_mem>>) src(%dma_wait3A_220 : memref<65536x256xf32, #tpu.memory_space<hbm>>) dst(%arg9 : memref<128x256xf32, #tpu.memory_space<vmem>>)
    %add3A_221 = arith.constant 768 : i32
    %add3A_222 = arith.addi %mul3A_2, %add3A_221 : i32
    "tpu.region"() ({
      %run_scoped3A = tpu.sem_alloc : memref<!tpu.dma_semaphore, #tpu.memory_space<semaphore_mem>>
      %dma_start3A_257 = arith.constant 0 : i32
      %dma_start3A_258 = tpu.memref_slice %arg5[%add3A_222, %dma_start3A_257] : memref<32768x128xf32, #tpu.memory_space<hbm>> -> memref<128x128xf32, #tpu.memory_space<hbm>>
      %dma_start3A_259 = arith.constant 0 : i32
      %dma_start3A_260 = tpu.memref_slice %arg5[%add3A_222, %dma_start3A_259] : memref<32768x128xf32, #tpu.memory_space<hbm>> -> memref<128x128xf32, #tpu.memory_space<hbm>>
      tpu.enqueue_dma source(%arg8 : memref<128x128xf32, #tpu.memory_space<vmem>>) target(%dma_start3A_260 : memref<128x128xf32, #tpu.memory_space<hbm>>) target_semaphore(%run_scoped3A : memref<!tpu.dma_semaphore, #tpu.memory_space<semaphore_mem>>)
      %dma_wait3A_261 = arith.constant 0 : i32
      %dma_wait3A_262 = tpu.memref_slice %arg5[%add3A_222, %dma_wait3A_261] : memref<32768x128xf32, #tpu.memory_space<hbm>> -> memref<128x128xf32, #tpu.memory_space<hbm>>
      %dma_wait3A_263 = arith.constant 0 : i32
      %dma_wait3A_264 = tpu.memref_slice %arg5[%add3A_222, %dma_wait3A_263] : memref<32768x128xf32, #tpu.memory_space<hbm>> -> memref<128x128xf32, #tpu.memory_space<hbm>>
      tpu.wait_dma2 semaphore(%run_scoped3A : memref<!tpu.dma_semaphore, #tpu.memory_space<semaphore_mem>>) src(%arg8 : memref<128x128xf32, #tpu.memory_space<vmem>>) dst(%dma_wait3A_264 : memref<128x128xf32, #tpu.memory_space<hbm>>)
      tpu.yield
    }) : () -> ()
    %add3A_223 = arith.constant 768 : i32
    %add3A_224 = arith.addi %mul3A_2, %add3A_223 : i32
    "tpu.region"() ({
      %run_scoped3A = tpu.sem_alloc : memref<!tpu.dma_semaphore, #tpu.memory_space<semaphore_mem>>
      %dma_start3A_257 = arith.constant 0 : i32
      %dma_start3A_258 = tpu.memref_slice %arg6[%add3A_224, %dma_start3A_257] : memref<32768x256xf32, #tpu.memory_space<hbm>> -> memref<128x256xf32, #tpu.memory_space<hbm>>
      %dma_start3A_259 = arith.constant 0 : i32
      %dma_start3A_260 = tpu.memref_slice %arg6[%add3A_224, %dma_start3A_259] : memref<32768x256xf32, #tpu.memory_space<hbm>> -> memref<128x256xf32, #tpu.memory_space<hbm>>
      tpu.enqueue_dma source(%arg9 : memref<128x256xf32, #tpu.memory_space<vmem>>) target(%dma_start3A_260 : memref<128x256xf32, #tpu.memory_space<hbm>>) target_semaphore(%run_scoped3A : memref<!tpu.dma_semaphore, #tpu.memory_space<semaphore_mem>>)
      %dma_wait3A_261 = arith.constant 0 : i32
      %dma_wait3A_262 = tpu.memref_slice %arg6[%add3A_224, %dma_wait3A_261] : memref<32768x256xf32, #tpu.memory_space<hbm>> -> memref<128x256xf32, #tpu.memory_space<hbm>>
      %dma_wait3A_263 = arith.constant 0 : i32
      %dma_wait3A_264 = tpu.memref_slice %arg6[%add3A_224, %dma_wait3A_263] : memref<32768x256xf32, #tpu.memory_space<hbm>> -> memref<128x256xf32, #tpu.memory_space<hbm>>
      tpu.wait_dma2 semaphore(%run_scoped3A : memref<!tpu.dma_semaphore, #tpu.memory_space<semaphore_mem>>) src(%arg9 : memref<128x256xf32, #tpu.memory_space<vmem>>) dst(%dma_wait3A_264 : memref<128x256xf32, #tpu.memory_space<hbm>>)
      tpu.yield
    }) : () -> ()
    %dma_start3A_225 = arith.constant 7 : i32
    %dma_start3A_226 = arith.constant 0 : i32
    %dma_start3A_227 = tpu.memref_slice %arg7[%dma_start3A_225, %dma_start3A_226] : memref<8x128xi32, #tpu.memory_space<vmem>> -> memref<1x128xi32, #tpu.memory_space<vmem>>
    %dma_start3A_228 = tpu.memref_squeeze %dma_start3A_227 : memref<1x128xi32, #tpu.memory_space<vmem>> -> memref<128xi32, #tpu.memory_space<vmem>>
    %dma_start3A_229 = arith.constant 0 : i32
    %dma_start3A_230 = arith.constant 0 : i32
    %dma_start3A_231 = tpu.memref_slice %arg2[%dma_start3A_229, %dma_start3A_230] : memref<65536x128xf32, #tpu.memory_space<hbm>> -> memref<65536x128xf32, #tpu.memory_space<hbm>>
    tpu.enqueue_indirect_dma source(%dma_start3A_231 : memref<65536x128xf32, #tpu.memory_space<hbm>>) target(%arg8 : memref<128x128xf32, #tpu.memory_space<vmem>>) offsets(%dma_start3A_228 : memref<128xi32, #tpu.memory_space<vmem>>) semaphore(%arg10 : memref<!tpu.dma_semaphore, #tpu.memory_space<semaphore_mem>>)
    %dma_start3A_232 = arith.constant 7 : i32
    %dma_start3A_233 = arith.constant 0 : i32
    %dma_start3A_234 = tpu.memref_slice %arg7[%dma_start3A_232, %dma_start3A_233] : memref<8x128xi32, #tpu.memory_space<vmem>> -> memref<1x128xi32, #tpu.memory_space<vmem>>
    %dma_start3A_235 = tpu.memref_squeeze %dma_start3A_234 : memref<1x128xi32, #tpu.memory_space<vmem>> -> memref<128xi32, #tpu.memory_space<vmem>>
    %dma_start3A_236 = arith.constant 0 : i32
    %dma_start3A_237 = arith.constant 0 : i32
    %dma_start3A_238 = tpu.memref_slice %arg3[%dma_start3A_236, %dma_start3A_237] : memref<65536x256xf32, #tpu.memory_space<hbm>> -> memref<65536x256xf32, #tpu.memory_space<hbm>>
    tpu.enqueue_indirect_dma source(%dma_start3A_238 : memref<65536x256xf32, #tpu.memory_space<hbm>>) target(%arg9 : memref<128x256xf32, #tpu.memory_space<vmem>>) offsets(%dma_start3A_235 : memref<128xi32, #tpu.memory_space<vmem>>) semaphore(%arg11 : memref<!tpu.dma_semaphore, #tpu.memory_space<semaphore_mem>>)
    %dma_wait3A_239 = arith.constant 7 : i32
    %dma_wait3A_240 = arith.constant 0 : i32
    %dma_wait3A_241 = tpu.memref_slice %arg7[%dma_wait3A_239, %dma_wait3A_240] : memref<8x128xi32, #tpu.memory_space<vmem>> -> memref<1x128xi32, #tpu.memory_space<vmem>>
    %dma_wait3A_242 = tpu.memref_squeeze %dma_wait3A_241 : memref<1x128xi32, #tpu.memory_space<vmem>> -> memref<128xi32, #tpu.memory_space<vmem>>
    %dma_wait3A_243 = arith.constant 0 : i32
    %dma_wait3A_244 = arith.constant 0 : i32
    %dma_wait3A_245 = tpu.memref_slice %arg2[%dma_wait3A_243, %dma_wait3A_244] : memref<65536x128xf32, #tpu.memory_space<hbm>> -> memref<65536x128xf32, #tpu.memory_space<hbm>>
    tpu.wait_indirect_dma semaphore(%arg10 : memref<!tpu.dma_semaphore, #tpu.memory_space<semaphore_mem>>) src(%dma_wait3A_245 : memref<65536x128xf32, #tpu.memory_space<hbm>>) dst(%arg8 : memref<128x128xf32, #tpu.memory_space<vmem>>)
    %dma_wait3A_246 = arith.constant 7 : i32
    %dma_wait3A_247 = arith.constant 0 : i32
    %dma_wait3A_248 = tpu.memref_slice %arg7[%dma_wait3A_246, %dma_wait3A_247] : memref<8x128xi32, #tpu.memory_space<vmem>> -> memref<1x128xi32, #tpu.memory_space<vmem>>
    %dma_wait3A_249 = tpu.memref_squeeze %dma_wait3A_248 : memref<1x128xi32, #tpu.memory_space<vmem>> -> memref<128xi32, #tpu.memory_space<vmem>>
    %dma_wait3A_250 = arith.constant 0 : i32
    %dma_wait3A_251 = arith.constant 0 : i32
    %dma_wait3A_252 = tpu.memref_slice %arg3[%dma_wait3A_250, %dma_wait3A_251] : memref<65536x256xf32, #tpu.memory_space<hbm>> -> memref<65536x256xf32, #tpu.memory_space<hbm>>
    tpu.wait_indirect_dma semaphore(%arg11 : memref<!tpu.dma_semaphore, #tpu.memory_space<semaphore_mem>>) src(%dma_wait3A_252 : memref<65536x256xf32, #tpu.memory_space<hbm>>) dst(%arg9 : memref<128x256xf32, #tpu.memory_space<vmem>>)
    %add3A_253 = arith.constant 896 : i32
    %add3A_254 = arith.addi %mul3A_2, %add3A_253 : i32
    "tpu.region"() ({
      %run_scoped3A = tpu.sem_alloc : memref<!tpu.dma_semaphore, #tpu.memory_space<semaphore_mem>>
      %dma_start3A_257 = arith.constant 0 : i32
      %dma_start3A_258 = tpu.memref_slice %arg5[%add3A_254, %dma_start3A_257] : memref<32768x128xf32, #tpu.memory_space<hbm>> -> memref<128x128xf32, #tpu.memory_space<hbm>>
      %dma_start3A_259 = arith.constant 0 : i32
      %dma_start3A_260 = tpu.memref_slice %arg5[%add3A_254, %dma_start3A_259] : memref<32768x128xf32, #tpu.memory_space<hbm>> -> memref<128x128xf32, #tpu.memory_space<hbm>>
      tpu.enqueue_dma source(%arg8 : memref<128x128xf32, #tpu.memory_space<vmem>>) target(%dma_start3A_260 : memref<128x128xf32, #tpu.memory_space<hbm>>) target_semaphore(%run_scoped3A : memref<!tpu.dma_semaphore, #tpu.memory_space<semaphore_mem>>)
      %dma_wait3A_261 = arith.constant 0 : i32
      %dma_wait3A_262 = tpu.memref_slice %arg5[%add3A_254, %dma_wait3A_261] : memref<32768x128xf32, #tpu.memory_space<hbm>> -> memref<128x128xf32, #tpu.memory_space<hbm>>
      %dma_wait3A_263 = arith.constant 0 : i32
      %dma_wait3A_264 = tpu.memref_slice %arg5[%add3A_254, %dma_wait3A_263] : memref<32768x128xf32, #tpu.memory_space<hbm>> -> memref<128x128xf32, #tpu.memory_space<hbm>>
      tpu.wait_dma2 semaphore(%run_scoped3A : memref<!tpu.dma_semaphore, #tpu.memory_space<semaphore_mem>>) src(%arg8 : memref<128x128xf32, #tpu.memory_space<vmem>>) dst(%dma_wait3A_264 : memref<128x128xf32, #tpu.memory_space<hbm>>)
      tpu.yield
    }) : () -> ()
    %add3A_255 = arith.constant 896 : i32
    %add3A_256 = arith.addi %mul3A_2, %add3A_255 : i32
    "tpu.region"() ({
      %run_scoped3A = tpu.sem_alloc : memref<!tpu.dma_semaphore, #tpu.memory_space<semaphore_mem>>
      %dma_start3A_257 = arith.constant 0 : i32
      %dma_start3A_258 = tpu.memref_slice %arg6[%add3A_256, %dma_start3A_257] : memref<32768x256xf32, #tpu.memory_space<hbm>> -> memref<128x256xf32, #tpu.memory_space<hbm>>
      %dma_start3A_259 = arith.constant 0 : i32
      %dma_start3A_260 = tpu.memref_slice %arg6[%add3A_256, %dma_start3A_259] : memref<32768x256xf32, #tpu.memory_space<hbm>> -> memref<128x256xf32, #tpu.memory_space<hbm>>
      tpu.enqueue_dma source(%arg9 : memref<128x256xf32, #tpu.memory_space<vmem>>) target(%dma_start3A_260 : memref<128x256xf32, #tpu.memory_space<hbm>>) target_semaphore(%run_scoped3A : memref<!tpu.dma_semaphore, #tpu.memory_space<semaphore_mem>>)
      %dma_wait3A_261 = arith.constant 0 : i32
      %dma_wait3A_262 = tpu.memref_slice %arg6[%add3A_256, %dma_wait3A_261] : memref<32768x256xf32, #tpu.memory_space<hbm>> -> memref<128x256xf32, #tpu.memory_space<hbm>>
      %dma_wait3A_263 = arith.constant 0 : i32
      %dma_wait3A_264 = tpu.memref_slice %arg6[%add3A_256, %dma_wait3A_263] : memref<32768x256xf32, #tpu.memory_space<hbm>> -> memref<128x256xf32, #tpu.memory_space<hbm>>
      tpu.wait_dma2 semaphore(%run_scoped3A : memref<!tpu.dma_semaphore, #tpu.memory_space<semaphore_mem>>) src(%arg9 : memref<128x256xf32, #tpu.memory_space<vmem>>) dst(%dma_wait3A_264 : memref<128x256xf32, #tpu.memory_space<hbm>>)
      tpu.yield
    }) : () -> ()
    return
  }
}

module attributes {stable_mosaic.version = 14 : i64} {
  func.func @_route_body(%arg0: i32, %arg1: memref<512x2048xf32, #tpu.memory_space<vmem>>, %arg2: memref<2048x256xf32, #tpu.memory_space<vmem>>, %arg3: memref<8x256x16xf32, #tpu.memory_space<vmem>>, %arg4: memref<8x256xf32, #tpu.memory_space<vmem>>, %arg5: memref<512x4xi32, #tpu.memory_space<vmem>>, %arg6: memref<512x128xf32, #tpu.memory_space<vmem>>) attributes {dimension_semantics = [#tpu.dimension_semantics<arbitrary>], iteration_bounds = array<i64: 16>, scalar_prefetch = 0 : i64, scratch_operands = 0 : i64, tpu.core_type = #tpu.core_type<tc>, window_params = [{transform_indices = @transform_0, window_bounds = array<i64: 512, 2048>}, {pipeline_mode = #tpu.pipeline_mode<synchronous>, transform_indices = @transform_1, window_bounds = array<i64: 2048, 256>}, {pipeline_mode = #tpu.pipeline_mode<synchronous>, transform_indices = @transform_2, window_bounds = array<i64: 8, 256, 16>}, {pipeline_mode = #tpu.pipeline_mode<synchronous>, transform_indices = @transform_3, window_bounds = array<i64: 8, 256>}, {transform_indices = @transform_4, window_bounds = array<i64: 512, 4>}, {transform_indices = @transform_5, window_bounds = array<i64: 512, 128>}]} {
    %get3A = arith.constant 0 : index
    %get3A_0 = arith.constant 0 : index
    %get3A_1 = vector.load %arg1[%get3A, %get3A_0] : memref<512x2048xf32, #tpu.memory_space<vmem>>, vector<512x2048xf32>
    %get3A_2 = arith.constant 0 : index
    %get3A_3 = arith.constant 0 : index
    %get3A_4 = vector.load %arg2[%get3A_2, %get3A_3] : memref<2048x256xf32, #tpu.memory_space<vmem>>, vector<2048x256xf32>
    %dot_general3A = arith.constant dense<0.000000e+00> : vector<512x256xf32>
    %dot_general3A_5 = tpu.matmul %get3A_1, %get3A_4, %dot_general3A {dimension_numbers = #tpu.dot_dimension_numbers<[1], [0], [0], [1], [0, 0, 1, 1], [], []>, transpose_lhs_hint = false} : vector<512x2048xf32>, vector<2048x256xf32>, vector<512x256xf32> -> vector<512x256xf32>
    %slice3A = vector.extract_strided_slice %dot_general3A_5 {offsets = [0, 0], sizes = [512, 128], strides = [1, 1]} : vector<512x256xf32> to vector<512x128xf32>
    %slice3A_6 = vector.extract_strided_slice %dot_general3A_5 {offsets = [0, 128], sizes = [512, 128], strides = [1, 1]} : vector<512x256xf32> to vector<512x128xf32>
    %swap3A = arith.constant 0 : index
    %swap3A_7 = arith.constant 0 : index
    %swap3A_8 = vector.load %arg6[%swap3A, %swap3A_7] : memref<512x128xf32, #tpu.memory_space<vmem>>, vector<512x128xf32>
    tpu.vector_store %arg6[%swap3A, %swap3A_7], %slice3A_6 {strides = array<i32>} : memref<512x128xf32, #tpu.memory_space<vmem>>, vector<512x128xf32>,
    %slice3A_9 = vector.extract_strided_slice %slice3A {offsets = [0, 0], sizes = [512, 16], strides = [1, 1]} : vector<512x128xf32> to vector<512x16xf32>
    %get3A_10 = arith.constant 0 : index
    %get3A_11 = arith.constant 0 : index
    %get3A_12 = arith.constant 0 : index
    %get3A_13 = vector.load %arg3[%get3A_10, %get3A_11, %get3A_12] : memref<8x256x16xf32, #tpu.memory_space<vmem>>, vector<1x256x16xf32>
    %get3A_14 = vector.shape_cast %get3A_13 : vector<1x256x16xf32> to vector<256x16xf32>
    %dot_general3A_15 = arith.constant dense<0.000000e+00> : vector<512x256xf32>
    %dot_general3A_16 = tpu.matmul %slice3A_9, %get3A_14, %dot_general3A_15 {dimension_numbers = #tpu.dot_dimension_numbers<[1], [1], [0], [0], [0, 0, 1, 0], [], []>, transpose_lhs_hint = false} : vector<512x16xf32>, vector<256x16xf32>, vector<512x256xf32> -> vector<512x256xf32>
    %mul3A = arith.mulf %slice3A_9, %slice3A_9 : vector<512x16xf32>
    %reduce_sum3A = arith.constant dense<0.000000e+00> : vector<512xf32>
    %reduce_sum3A_17 = vector.multi_reduction <add>, %mul3A, %reduce_sum3A [1] : vector<512x16xf32> to vector<512xf32>
    %broadcast_in_dim3A = vector.shape_cast %reduce_sum3A_17 : vector<512xf32> to vector<512x1xf32>
    %get3A_18 = arith.constant 0 : index
    %get3A_19 = arith.constant 0 : index
    %get3A_20 = vector.load %arg4[%get3A_18, %get3A_19] : memref<8x256xf32, #tpu.memory_space<vmem>>, vector<1x256xf32>
    %add3A = vector.broadcast %broadcast_in_dim3A : vector<512x1xf32> to vector<512x256xf32>
    %add3A_21 = vector.broadcast %get3A_20 : vector<1x256xf32> to vector<512x256xf32>
    %add3A_22 = arith.addf %add3A, %add3A_21 : vector<512x256xf32>
    %mul3A_23 = arith.constant 2.000000e+00 : f32
    %mul3A_24 = vector.broadcast %mul3A_23 : f32 to vector<512x256xf32>
    %mul3A_25 = arith.mulf %mul3A_24, %dot_general3A_16 : vector<512x256xf32>
    %sub3A = arith.subf %add3A_22, %mul3A_25 : vector<512x256xf32>
    %reduce_min3A = arith.constant dense<0x7F800000> : vector<512xf32>
    %reduce_min3A_26 = vector.multi_reduction <minimumf>, %sub3A, %reduce_min3A [1] : vector<512x256xf32> to vector<512xf32>
    %broadcast_in_dim3A_27 = vector.shape_cast %reduce_min3A_26 : vector<512xf32> to vector<512x1xf32>
    %iota3A = tpu.iota {dimensions = array<i32: 1>} : vector<512x256xi32>
    %le3A = vector.broadcast %broadcast_in_dim3A_27 : vector<512x1xf32> to vector<512x256xf32>
    %le3A_28 = arith.cmpf ole, %sub3A, %le3A : vector<512x256xf32>
    %jit3A = arith.constant 256 : i32
    %broadcast_in_dim3A_29 = vector.broadcast %jit3A : i32 to vector<512x256xi32>
    %select_n3A = arith.select %le3A_28, %iota3A, %broadcast_in_dim3A_29 : vector<512x256xi1>, vector<512x256xi32>
    %reduce_min3A_30 = arith.constant dense<2147483647> : vector<512xi32>
    %reduce_min3A_31 = vector.multi_reduction <minsi>, %select_n3A, %reduce_min3A_30 [1] : vector<512x256xi32> to vector<512xi32>
    %broadcast_in_dim3A_32 = vector.shape_cast %reduce_min3A_31 : vector<512xi32> to vector<512x1xi32>
    %mul3A_33 = arith.constant 1 : i32
    %mul3A_34 = vector.broadcast %mul3A_33 : i32 to vector<512x1xi32>
    %mul3A_35 = arith.muli %broadcast_in_dim3A_32, %mul3A_34 : vector<512x1xi32>
    %slice3A_36 = vector.extract_strided_slice %slice3A {offsets = [0, 16], sizes = [512, 16], strides = [1, 1]} : vector<512x128xf32> to vector<512x16xf32>
    %get3A_37 = arith.constant 1 : index
    %get3A_38 = arith.constant 0 : index
    %get3A_39 = arith.constant 0 : index
    %get3A_40 = vector.load %arg3[%get3A_37, %get3A_38, %get3A_39] : memref<8x256x16xf32, #tpu.memory_space<vmem>>, vector<1x256x16xf32>
    %get3A_41 = vector.shape_cast %get3A_40 : vector<1x256x16xf32> to vector<256x16xf32>
    %dot_general3A_42 = arith.constant dense<0.000000e+00> : vector<512x256xf32>
    %dot_general3A_43 = tpu.matmul %slice3A_36, %get3A_41, %dot_general3A_42 {dimension_numbers = #tpu.dot_dimension_numbers<[1], [1], [0], [0], [0, 0, 1, 0], [], []>, transpose_lhs_hint = false} : vector<512x16xf32>, vector<256x16xf32>, vector<512x256xf32> -> vector<512x256xf32>
    %mul3A_44 = arith.mulf %slice3A_36, %slice3A_36 : vector<512x16xf32>
    %reduce_sum3A_45 = arith.constant dense<0.000000e+00> : vector<512xf32>
    %reduce_sum3A_46 = vector.multi_reduction <add>, %mul3A_44, %reduce_sum3A_45 [1] : vector<512x16xf32> to vector<512xf32>
    %broadcast_in_dim3A_47 = vector.shape_cast %reduce_sum3A_46 : vector<512xf32> to vector<512x1xf32>
    %get3A_48 = arith.constant 1 : index
    %get3A_49 = arith.constant 0 : index
    %get3A_50 = vector.load %arg4[%get3A_48, %get3A_49] : memref<8x256xf32, #tpu.memory_space<vmem>>, vector<1x256xf32>
    %add3A_51 = vector.broadcast %broadcast_in_dim3A_47 : vector<512x1xf32> to vector<512x256xf32>
    %add3A_52 = vector.broadcast %get3A_50 : vector<1x256xf32> to vector<512x256xf32>
    %add3A_53 = arith.addf %add3A_51, %add3A_52 : vector<512x256xf32>
    %mul3A_54 = arith.constant 2.000000e+00 : f32
    %mul3A_55 = vector.broadcast %mul3A_54 : f32 to vector<512x256xf32>
    %mul3A_56 = arith.mulf %mul3A_55, %dot_general3A_43 : vector<512x256xf32>
    %sub3A_57 = arith.subf %add3A_53, %mul3A_56 : vector<512x256xf32>
    %reduce_min3A_58 = arith.constant dense<0x7F800000> : vector<512xf32>
    %reduce_min3A_59 = vector.multi_reduction <minimumf>, %sub3A_57, %reduce_min3A_58 [1] : vector<512x256xf32> to vector<512xf32>
    %broadcast_in_dim3A_60 = vector.shape_cast %reduce_min3A_59 : vector<512xf32> to vector<512x1xf32>
    %iota3A_61 = tpu.iota {dimensions = array<i32: 1>} : vector<512x256xi32>
    %le3A_62 = vector.broadcast %broadcast_in_dim3A_60 : vector<512x1xf32> to vector<512x256xf32>
    %le3A_63 = arith.cmpf ole, %sub3A_57, %le3A_62 : vector<512x256xf32>
    %jit3A_64 = arith.constant 256 : i32
    %broadcast_in_dim3A_65 = vector.broadcast %jit3A_64 : i32 to vector<512x256xi32>
    %select_n3A_66 = arith.select %le3A_63, %iota3A_61, %broadcast_in_dim3A_65 : vector<512x256xi1>, vector<512x256xi32>
    %reduce_min3A_67 = arith.constant dense<2147483647> : vector<512xi32>
    %reduce_min3A_68 = vector.multi_reduction <minsi>, %select_n3A_66, %reduce_min3A_67 [1] : vector<512x256xi32> to vector<512xi32>
    %broadcast_in_dim3A_69 = vector.shape_cast %reduce_min3A_68 : vector<512xi32> to vector<512x1xi32>
    %mul3A_70 = arith.constant 256 : i32
    %mul3A_71 = vector.broadcast %mul3A_70 : i32 to vector<512x1xi32>
    %mul3A_72 = arith.muli %broadcast_in_dim3A_69, %mul3A_71 : vector<512x1xi32>
    %add3A_73 = arith.addi %mul3A_35, %mul3A_72 : vector<512x1xi32>
    %slice3A_74 = vector.extract_strided_slice %slice3A {offsets = [0, 32], sizes = [512, 16], strides = [1, 1]} : vector<512x128xf32> to vector<512x16xf32>
    %get3A_75 = arith.constant 2 : index
    %get3A_76 = arith.constant 0 : index
    %get3A_77 = arith.constant 0 : index
    %get3A_78 = vector.load %arg3[%get3A_75, %get3A_76, %get3A_77] : memref<8x256x16xf32, #tpu.memory_space<vmem>>, vector<1x256x16xf32>
    %get3A_79 = vector.shape_cast %get3A_78 : vector<1x256x16xf32> to vector<256x16xf32>
    %dot_general3A_80 = arith.constant dense<0.000000e+00> : vector<512x256xf32>
    %dot_general3A_81 = tpu.matmul %slice3A_74, %get3A_79, %dot_general3A_80 {dimension_numbers = #tpu.dot_dimension_numbers<[1], [1], [0], [0], [0, 0, 1, 0], [], []>, transpose_lhs_hint = false} : vector<512x16xf32>, vector<256x16xf32>, vector<512x256xf32> -> vector<512x256xf32>
    %mul3A_82 = arith.mulf %slice3A_74, %slice3A_74 : vector<512x16xf32>
    %reduce_sum3A_83 = arith.constant dense<0.000000e+00> : vector<512xf32>
    %reduce_sum3A_84 = vector.multi_reduction <add>, %mul3A_82, %reduce_sum3A_83 [1] : vector<512x16xf32> to vector<512xf32>
    %broadcast_in_dim3A_85 = vector.shape_cast %reduce_sum3A_84 : vector<512xf32> to vector<512x1xf32>
    %get3A_86 = arith.constant 2 : index
    %get3A_87 = arith.constant 0 : index
    %get3A_88 = vector.load %arg4[%get3A_86, %get3A_87] : memref<8x256xf32, #tpu.memory_space<vmem>>, vector<1x256xf32>
    %add3A_89 = vector.broadcast %broadcast_in_dim3A_85 : vector<512x1xf32> to vector<512x256xf32>
    %add3A_90 = vector.broadcast %get3A_88 : vector<1x256xf32> to vector<512x256xf32>
    %add3A_91 = arith.addf %add3A_89, %add3A_90 : vector<512x256xf32>
    %mul3A_92 = arith.constant 2.000000e+00 : f32
    %mul3A_93 = vector.broadcast %mul3A_92 : f32 to vector<512x256xf32>
    %mul3A_94 = arith.mulf %mul3A_93, %dot_general3A_81 : vector<512x256xf32>
    %sub3A_95 = arith.subf %add3A_91, %mul3A_94 : vector<512x256xf32>
    %reduce_min3A_96 = arith.constant dense<0x7F800000> : vector<512xf32>
    %reduce_min3A_97 = vector.multi_reduction <minimumf>, %sub3A_95, %reduce_min3A_96 [1] : vector<512x256xf32> to vector<512xf32>
    %broadcast_in_dim3A_98 = vector.shape_cast %reduce_min3A_97 : vector<512xf32> to vector<512x1xf32>
    %iota3A_99 = tpu.iota {dimensions = array<i32: 1>} : vector<512x256xi32>
    %le3A_100 = vector.broadcast %broadcast_in_dim3A_98 : vector<512x1xf32> to vector<512x256xf32>
    %le3A_101 = arith.cmpf ole, %sub3A_95, %le3A_100 : vector<512x256xf32>
    %jit3A_102 = arith.constant 256 : i32
    %broadcast_in_dim3A_103 = vector.broadcast %jit3A_102 : i32 to vector<512x256xi32>
    %select_n3A_104 = arith.select %le3A_101, %iota3A_99, %broadcast_in_dim3A_103 : vector<512x256xi1>, vector<512x256xi32>
    %reduce_min3A_105 = arith.constant dense<2147483647> : vector<512xi32>
    %reduce_min3A_106 = vector.multi_reduction <minsi>, %select_n3A_104, %reduce_min3A_105 [1] : vector<512x256xi32> to vector<512xi32>
    %broadcast_in_dim3A_107 = vector.shape_cast %reduce_min3A_106 : vector<512xi32> to vector<512x1xi32>
    %mul3A_108 = arith.constant 1 : i32
    %mul3A_109 = vector.broadcast %mul3A_108 : i32 to vector<512x1xi32>
    %mul3A_110 = arith.muli %broadcast_in_dim3A_107, %mul3A_109 : vector<512x1xi32>
    %slice3A_111 = vector.extract_strided_slice %slice3A {offsets = [0, 48], sizes = [512, 16], strides = [1, 1]} : vector<512x128xf32> to vector<512x16xf32>
    %get3A_112 = arith.constant 3 : index
    %get3A_113 = arith.constant 0 : index
    %get3A_114 = arith.constant 0 : index
    %get3A_115 = vector.load %arg3[%get3A_112, %get3A_113, %get3A_114] : memref<8x256x16xf32, #tpu.memory_space<vmem>>, vector<1x256x16xf32>
    %get3A_116 = vector.shape_cast %get3A_115 : vector<1x256x16xf32> to vector<256x16xf32>
    %dot_general3A_117 = arith.constant dense<0.000000e+00> : vector<512x256xf32>
    %dot_general3A_118 = tpu.matmul %slice3A_111, %get3A_116, %dot_general3A_117 {dimension_numbers = #tpu.dot_dimension_numbers<[1], [1], [0], [0], [0, 0, 1, 0], [], []>, transpose_lhs_hint = false} : vector<512x16xf32>, vector<256x16xf32>, vector<512x256xf32> -> vector<512x256xf32>
    %mul3A_119 = arith.mulf %slice3A_111, %slice3A_111 : vector<512x16xf32>
    %reduce_sum3A_120 = arith.constant dense<0.000000e+00> : vector<512xf32>
    %reduce_sum3A_121 = vector.multi_reduction <add>, %mul3A_119, %reduce_sum3A_120 [1] : vector<512x16xf32> to vector<512xf32>
    %broadcast_in_dim3A_122 = vector.shape_cast %reduce_sum3A_121 : vector<512xf32> to vector<512x1xf32>
    %get3A_123 = arith.constant 3 : index
    %get3A_124 = arith.constant 0 : index
    %get3A_125 = vector.load %arg4[%get3A_123, %get3A_124] : memref<8x256xf32, #tpu.memory_space<vmem>>, vector<1x256xf32>
    %add3A_126 = vector.broadcast %broadcast_in_dim3A_122 : vector<512x1xf32> to vector<512x256xf32>
    %add3A_127 = vector.broadcast %get3A_125 : vector<1x256xf32> to vector<512x256xf32>
    %add3A_128 = arith.addf %add3A_126, %add3A_127 : vector<512x256xf32>
    %mul3A_129 = arith.constant 2.000000e+00 : f32
    %mul3A_130 = vector.broadcast %mul3A_129 : f32 to vector<512x256xf32>
    %mul3A_131 = arith.mulf %mul3A_130, %dot_general3A_118 : vector<512x256xf32>
    %sub3A_132 = arith.subf %add3A_128, %mul3A_131 : vector<512x256xf32>
    %reduce_min3A_133 = arith.constant dense<0x7F800000> : vector<512xf32>
    %reduce_min3A_134 = vector.multi_reduction <minimumf>, %sub3A_132, %reduce_min3A_133 [1] : vector<512x256xf32> to vector<512xf32>
    %broadcast_in_dim3A_135 = vector.shape_cast %reduce_min3A_134 : vector<512xf32> to vector<512x1xf32>
    %iota3A_136 = tpu.iota {dimensions = array<i32: 1>} : vector<512x256xi32>
    %le3A_137 = vector.broadcast %broadcast_in_dim3A_135 : vector<512x1xf32> to vector<512x256xf32>
    %le3A_138 = arith.cmpf ole, %sub3A_132, %le3A_137 : vector<512x256xf32>
    %jit3A_139 = arith.constant 256 : i32
    %broadcast_in_dim3A_140 = vector.broadcast %jit3A_139 : i32 to vector<512x256xi32>
    %select_n3A_141 = arith.select %le3A_138, %iota3A_136, %broadcast_in_dim3A_140 : vector<512x256xi1>, vector<512x256xi32>
    %reduce_min3A_142 = arith.constant dense<2147483647> : vector<512xi32>
    %reduce_min3A_143 = vector.multi_reduction <minsi>, %select_n3A_141, %reduce_min3A_142 [1] : vector<512x256xi32> to vector<512xi32>
    %broadcast_in_dim3A_144 = vector.shape_cast %reduce_min3A_143 : vector<512xi32> to vector<512x1xi32>
    %mul3A_145 = arith.constant 256 : i32
    %mul3A_146 = vector.broadcast %mul3A_145 : i32 to vector<512x1xi32>
    %mul3A_147 = arith.muli %broadcast_in_dim3A_144, %mul3A_146 : vector<512x1xi32>
    %add3A_148 = arith.addi %mul3A_110, %mul3A_147 : vector<512x1xi32>
    %slice3A_149 = vector.extract_strided_slice %slice3A {offsets = [0, 64], sizes = [512, 16], strides = [1, 1]} : vector<512x128xf32> to vector<512x16xf32>
    %get3A_150 = arith.constant 4 : index
    %get3A_151 = arith.constant 0 : index
    %get3A_152 = arith.constant 0 : index
    %get3A_153 = vector.load %arg3[%get3A_150, %get3A_151, %get3A_152] : memref<8x256x16xf32, #tpu.memory_space<vmem>>, vector<1x256x16xf32>
    %get3A_154 = vector.shape_cast %get3A_153 : vector<1x256x16xf32> to vector<256x16xf32>
    %dot_general3A_155 = arith.constant dense<0.000000e+00> : vector<512x256xf32>
    %dot_general3A_156 = tpu.matmul %slice3A_149, %get3A_154, %dot_general3A_155 {dimension_numbers = #tpu.dot_dimension_numbers<[1], [1], [0], [0], [0, 0, 1, 0], [], []>, transpose_lhs_hint = false} : vector<512x16xf32>, vector<256x16xf32>, vector<512x256xf32> -> vector<512x256xf32>
    %mul3A_157 = arith.mulf %slice3A_149, %slice3A_149 : vector<512x16xf32>
    %reduce_sum3A_158 = arith.constant dense<0.000000e+00> : vector<512xf32>
    %reduce_sum3A_159 = vector.multi_reduction <add>, %mul3A_157, %reduce_sum3A_158 [1] : vector<512x16xf32> to vector<512xf32>
    %broadcast_in_dim3A_160 = vector.shape_cast %reduce_sum3A_159 : vector<512xf32> to vector<512x1xf32>
    %get3A_161 = arith.constant 4 : index
    %get3A_162 = arith.constant 0 : index
    %get3A_163 = vector.load %arg4[%get3A_161, %get3A_162] : memref<8x256xf32, #tpu.memory_space<vmem>>, vector<1x256xf32>
    %add3A_164 = vector.broadcast %broadcast_in_dim3A_160 : vector<512x1xf32> to vector<512x256xf32>
    %add3A_165 = vector.broadcast %get3A_163 : vector<1x256xf32> to vector<512x256xf32>
    %add3A_166 = arith.addf %add3A_164, %add3A_165 : vector<512x256xf32>
    %mul3A_167 = arith.constant 2.000000e+00 : f32
    %mul3A_168 = vector.broadcast %mul3A_167 : f32 to vector<512x256xf32>
    %mul3A_169 = arith.mulf %mul3A_168, %dot_general3A_156 : vector<512x256xf32>
    %sub3A_170 = arith.subf %add3A_166, %mul3A_169 : vector<512x256xf32>
    %reduce_min3A_171 = arith.constant dense<0x7F800000> : vector<512xf32>
    %reduce_min3A_172 = vector.multi_reduction <minimumf>, %sub3A_170, %reduce_min3A_171 [1] : vector<512x256xf32> to vector<512xf32>
    %broadcast_in_dim3A_173 = vector.shape_cast %reduce_min3A_172 : vector<512xf32> to vector<512x1xf32>
    %iota3A_174 = tpu.iota {dimensions = array<i32: 1>} : vector<512x256xi32>
    %le3A_175 = vector.broadcast %broadcast_in_dim3A_173 : vector<512x1xf32> to vector<512x256xf32>
    %le3A_176 = arith.cmpf ole, %sub3A_170, %le3A_175 : vector<512x256xf32>
    %jit3A_177 = arith.constant 256 : i32
    %broadcast_in_dim3A_178 = vector.broadcast %jit3A_177 : i32 to vector<512x256xi32>
    %select_n3A_179 = arith.select %le3A_176, %iota3A_174, %broadcast_in_dim3A_178 : vector<512x256xi1>, vector<512x256xi32>
    %reduce_min3A_180 = arith.constant dense<2147483647> : vector<512xi32>
    %reduce_min3A_181 = vector.multi_reduction <minsi>, %select_n3A_179, %reduce_min3A_180 [1] : vector<512x256xi32> to vector<512xi32>
    %broadcast_in_dim3A_182 = vector.shape_cast %reduce_min3A_181 : vector<512xi32> to vector<512x1xi32>
    %mul3A_183 = arith.constant 1 : i32
    %mul3A_184 = vector.broadcast %mul3A_183 : i32 to vector<512x1xi32>
    %mul3A_185 = arith.muli %broadcast_in_dim3A_182, %mul3A_184 : vector<512x1xi32>
    %slice3A_186 = vector.extract_strided_slice %slice3A {offsets = [0, 80], sizes = [512, 16], strides = [1, 1]} : vector<512x128xf32> to vector<512x16xf32>
    %get3A_187 = arith.constant 5 : index
    %get3A_188 = arith.constant 0 : index
    %get3A_189 = arith.constant 0 : index
    %get3A_190 = vector.load %arg3[%get3A_187, %get3A_188, %get3A_189] : memref<8x256x16xf32, #tpu.memory_space<vmem>>, vector<1x256x16xf32>
    %get3A_191 = vector.shape_cast %get3A_190 : vector<1x256x16xf32> to vector<256x16xf32>
    %dot_general3A_192 = arith.constant dense<0.000000e+00> : vector<512x256xf32>
    %dot_general3A_193 = tpu.matmul %slice3A_186, %get3A_191, %dot_general3A_192 {dimension_numbers = #tpu.dot_dimension_numbers<[1], [1], [0], [0], [0, 0, 1, 0], [], []>, transpose_lhs_hint = false} : vector<512x16xf32>, vector<256x16xf32>, vector<512x256xf32> -> vector<512x256xf32>
    %mul3A_194 = arith.mulf %slice3A_186, %slice3A_186 : vector<512x16xf32>
    %reduce_sum3A_195 = arith.constant dense<0.000000e+00> : vector<512xf32>
    %reduce_sum3A_196 = vector.multi_reduction <add>, %mul3A_194, %reduce_sum3A_195 [1] : vector<512x16xf32> to vector<512xf32>
    %broadcast_in_dim3A_197 = vector.shape_cast %reduce_sum3A_196 : vector<512xf32> to vector<512x1xf32>
    %get3A_198 = arith.constant 5 : index
    %get3A_199 = arith.constant 0 : index
    %get3A_200 = vector.load %arg4[%get3A_198, %get3A_199] : memref<8x256xf32, #tpu.memory_space<vmem>>, vector<1x256xf32>
    %add3A_201 = vector.broadcast %broadcast_in_dim3A_197 : vector<512x1xf32> to vector<512x256xf32>
    %add3A_202 = vector.broadcast %get3A_200 : vector<1x256xf32> to vector<512x256xf32>
    %add3A_203 = arith.addf %add3A_201, %add3A_202 : vector<512x256xf32>
    %mul3A_204 = arith.constant 2.000000e+00 : f32
    %mul3A_205 = vector.broadcast %mul3A_204 : f32 to vector<512x256xf32>
    %mul3A_206 = arith.mulf %mul3A_205, %dot_general3A_193 : vector<512x256xf32>
    %sub3A_207 = arith.subf %add3A_203, %mul3A_206 : vector<512x256xf32>
    %reduce_min3A_208 = arith.constant dense<0x7F800000> : vector<512xf32>
    %reduce_min3A_209 = vector.multi_reduction <minimumf>, %sub3A_207, %reduce_min3A_208 [1] : vector<512x256xf32> to vector<512xf32>
    %broadcast_in_dim3A_210 = vector.shape_cast %reduce_min3A_209 : vector<512xf32> to vector<512x1xf32>
    %iota3A_211 = tpu.iota {dimensions = array<i32: 1>} : vector<512x256xi32>
    %le3A_212 = vector.broadcast %broadcast_in_dim3A_210 : vector<512x1xf32> to vector<512x256xf32>
    %le3A_213 = arith.cmpf ole, %sub3A_207, %le3A_212 : vector<512x256xf32>
    %jit3A_214 = arith.constant 256 : i32
    %broadcast_in_dim3A_215 = vector.broadcast %jit3A_214 : i32 to vector<512x256xi32>
    %select_n3A_216 = arith.select %le3A_213, %iota3A_211, %broadcast_in_dim3A_215 : vector<512x256xi1>, vector<512x256xi32>
    %reduce_min3A_217 = arith.constant dense<2147483647> : vector<512xi32>
    %reduce_min3A_218 = vector.multi_reduction <minsi>, %select_n3A_216, %reduce_min3A_217 [1] : vector<512x256xi32> to vector<512xi32>
    %broadcast_in_dim3A_219 = vector.shape_cast %reduce_min3A_218 : vector<512xi32> to vector<512x1xi32>
    %mul3A_220 = arith.constant 256 : i32
    %mul3A_221 = vector.broadcast %mul3A_220 : i32 to vector<512x1xi32>
    %mul3A_222 = arith.muli %broadcast_in_dim3A_219, %mul3A_221 : vector<512x1xi32>
    %add3A_223 = arith.addi %mul3A_185, %mul3A_222 : vector<512x1xi32>
    %slice3A_224 = vector.extract_strided_slice %slice3A {offsets = [0, 96], sizes = [512, 16], strides = [1, 1]} : vector<512x128xf32> to vector<512x16xf32>
    %get3A_225 = arith.constant 6 : index
    %get3A_226 = arith.constant 0 : index
    %get3A_227 = arith.constant 0 : index
    %get3A_228 = vector.load %arg3[%get3A_225, %get3A_226, %get3A_227] : memref<8x256x16xf32, #tpu.memory_space<vmem>>, vector<1x256x16xf32>
    %get3A_229 = vector.shape_cast %get3A_228 : vector<1x256x16xf32> to vector<256x16xf32>
    %dot_general3A_230 = arith.constant dense<0.000000e+00> : vector<512x256xf32>
    %dot_general3A_231 = tpu.matmul %slice3A_224, %get3A_229, %dot_general3A_230 {dimension_numbers = #tpu.dot_dimension_numbers<[1], [1], [0], [0], [0, 0, 1, 0], [], []>, transpose_lhs_hint = false} : vector<512x16xf32>, vector<256x16xf32>, vector<512x256xf32> -> vector<512x256xf32>
    %mul3A_232 = arith.mulf %slice3A_224, %slice3A_224 : vector<512x16xf32>
    %reduce_sum3A_233 = arith.constant dense<0.000000e+00> : vector<512xf32>
    %reduce_sum3A_234 = vector.multi_reduction <add>, %mul3A_232, %reduce_sum3A_233 [1] : vector<512x16xf32> to vector<512xf32>
    %broadcast_in_dim3A_235 = vector.shape_cast %reduce_sum3A_234 : vector<512xf32> to vector<512x1xf32>
    %get3A_236 = arith.constant 6 : index
    %get3A_237 = arith.constant 0 : index
    %get3A_238 = vector.load %arg4[%get3A_236, %get3A_237] : memref<8x256xf32, #tpu.memory_space<vmem>>, vector<1x256xf32>
    %add3A_239 = vector.broadcast %broadcast_in_dim3A_235 : vector<512x1xf32> to vector<512x256xf32>
    %add3A_240 = vector.broadcast %get3A_238 : vector<1x256xf32> to vector<512x256xf32>
    %add3A_241 = arith.addf %add3A_239, %add3A_240 : vector<512x256xf32>
    %mul3A_242 = arith.constant 2.000000e+00 : f32
    %mul3A_243 = vector.broadcast %mul3A_242 : f32 to vector<512x256xf32>
    %mul3A_244 = arith.mulf %mul3A_243, %dot_general3A_231 : vector<512x256xf32>
    %sub3A_245 = arith.subf %add3A_241, %mul3A_244 : vector<512x256xf32>
    %reduce_min3A_246 = arith.constant dense<0x7F800000> : vector<512xf32>
    %reduce_min3A_247 = vector.multi_reduction <minimumf>, %sub3A_245, %reduce_min3A_246 [1] : vector<512x256xf32> to vector<512xf32>
    %broadcast_in_dim3A_248 = vector.shape_cast %reduce_min3A_247 : vector<512xf32> to vector<512x1xf32>
    %iota3A_249 = tpu.iota {dimensions = array<i32: 1>} : vector<512x256xi32>
    %le3A_250 = vector.broadcast %broadcast_in_dim3A_248 : vector<512x1xf32> to vector<512x256xf32>
    %le3A_251 = arith.cmpf ole, %sub3A_245, %le3A_250 : vector<512x256xf32>
    %jit3A_252 = arith.constant 256 : i32
    %broadcast_in_dim3A_253 = vector.broadcast %jit3A_252 : i32 to vector<512x256xi32>
    %select_n3A_254 = arith.select %le3A_251, %iota3A_249, %broadcast_in_dim3A_253 : vector<512x256xi1>, vector<512x256xi32>
    %reduce_min3A_255 = arith.constant dense<2147483647> : vector<512xi32>
    %reduce_min3A_256 = vector.multi_reduction <minsi>, %select_n3A_254, %reduce_min3A_255 [1] : vector<512x256xi32> to vector<512xi32>
    %broadcast_in_dim3A_257 = vector.shape_cast %reduce_min3A_256 : vector<512xi32> to vector<512x1xi32>
    %mul3A_258 = arith.constant 1 : i32
    %mul3A_259 = vector.broadcast %mul3A_258 : i32 to vector<512x1xi32>
    %mul3A_260 = arith.muli %broadcast_in_dim3A_257, %mul3A_259 : vector<512x1xi32>
    %slice3A_261 = vector.extract_strided_slice %slice3A {offsets = [0, 112], sizes = [512, 16], strides = [1, 1]} : vector<512x128xf32> to vector<512x16xf32>
    %get3A_262 = arith.constant 7 : index
    %get3A_263 = arith.constant 0 : index
    %get3A_264 = arith.constant 0 : index
    %get3A_265 = vector.load %arg3[%get3A_262, %get3A_263, %get3A_264] : memref<8x256x16xf32, #tpu.memory_space<vmem>>, vector<1x256x16xf32>
    %get3A_266 = vector.shape_cast %get3A_265 : vector<1x256x16xf32> to vector<256x16xf32>
    %dot_general3A_267 = arith.constant dense<0.000000e+00> : vector<512x256xf32>
    %dot_general3A_268 = tpu.matmul %slice3A_261, %get3A_266, %dot_general3A_267 {dimension_numbers = #tpu.dot_dimension_numbers<[1], [1], [0], [0], [0, 0, 1, 0], [], []>, transpose_lhs_hint = false} : vector<512x16xf32>, vector<256x16xf32>, vector<512x256xf32> -> vector<512x256xf32>
    %mul3A_269 = arith.mulf %slice3A_261, %slice3A_261 : vector<512x16xf32>
    %reduce_sum3A_270 = arith.constant dense<0.000000e+00> : vector<512xf32>
    %reduce_sum3A_271 = vector.multi_reduction <add>, %mul3A_269, %reduce_sum3A_270 [1] : vector<512x16xf32> to vector<512xf32>
    %broadcast_in_dim3A_272 = vector.shape_cast %reduce_sum3A_271 : vector<512xf32> to vector<512x1xf32>
    %get3A_273 = arith.constant 7 : index
    %get3A_274 = arith.constant 0 : index
    %get3A_275 = vector.load %arg4[%get3A_273, %get3A_274] : memref<8x256xf32, #tpu.memory_space<vmem>>, vector<1x256xf32>
    %add3A_276 = vector.broadcast %broadcast_in_dim3A_272 : vector<512x1xf32> to vector<512x256xf32>
    %add3A_277 = vector.broadcast %get3A_275 : vector<1x256xf32> to vector<512x256xf32>
    %add3A_278 = arith.addf %add3A_276, %add3A_277 : vector<512x256xf32>
    %mul3A_279 = arith.constant 2.000000e+00 : f32
    %mul3A_280 = vector.broadcast %mul3A_279 : f32 to vector<512x256xf32>
    %mul3A_281 = arith.mulf %mul3A_280, %dot_general3A_268 : vector<512x256xf32>
    %sub3A_282 = arith.subf %add3A_278, %mul3A_281 : vector<512x256xf32>
    %reduce_min3A_283 = arith.constant dense<0x7F800000> : vector<512xf32>
    %reduce_min3A_284 = vector.multi_reduction <minimumf>, %sub3A_282, %reduce_min3A_283 [1] : vector<512x256xf32> to vector<512xf32>
    %broadcast_in_dim3A_285 = vector.shape_cast %reduce_min3A_284 : vector<512xf32> to vector<512x1xf32>
    %iota3A_286 = tpu.iota {dimensions = array<i32: 1>} : vector<512x256xi32>
    %le3A_287 = vector.broadcast %broadcast_in_dim3A_285 : vector<512x1xf32> to vector<512x256xf32>
    %le3A_288 = arith.cmpf ole, %sub3A_282, %le3A_287 : vector<512x256xf32>
    %jit3A_289 = arith.constant 256 : i32
    %broadcast_in_dim3A_290 = vector.broadcast %jit3A_289 : i32 to vector<512x256xi32>
    %select_n3A_291 = arith.select %le3A_288, %iota3A_286, %broadcast_in_dim3A_290 : vector<512x256xi1>, vector<512x256xi32>
    %reduce_min3A_292 = arith.constant dense<2147483647> : vector<512xi32>
    %reduce_min3A_293 = vector.multi_reduction <minsi>, %select_n3A_291, %reduce_min3A_292 [1] : vector<512x256xi32> to vector<512xi32>
    %broadcast_in_dim3A_294 = vector.shape_cast %reduce_min3A_293 : vector<512xi32> to vector<512x1xi32>
    %mul3A_295 = arith.constant 256 : i32
    %mul3A_296 = vector.broadcast %mul3A_295 : i32 to vector<512x1xi32>
    %mul3A_297 = arith.muli %broadcast_in_dim3A_294, %mul3A_296 : vector<512x1xi32>
    %add3A_298 = arith.addi %mul3A_260, %mul3A_297 : vector<512x1xi32>
    %concatenate3A = tpu.concatenate %add3A_73, %add3A_148, %add3A_223, %add3A_298 in 1 : vector<512x1xi32>, vector<512x1xi32>, vector<512x1xi32>, vector<512x1xi32> -> vector<512x4xi32>
    %swap3A_299 = arith.constant 0 : index
    %swap3A_300 = arith.constant 0 : index
    %swap3A_301 = vector.load %arg5[%swap3A_299, %swap3A_300] : memref<512x4xi32, #tpu.memory_space<vmem>>, vector<512x4xi32>
    tpu.vector_store %arg5[%swap3A_299, %swap3A_300], %concatenate3A {strides = array<i32>} : memref<512x4xi32, #tpu.memory_space<vmem>>, vector<512x4xi32>,
    return
  }
  func.func @transform_0(%arg0: i32) -> (i32, i32) {
    %c0_i32 = arith.constant 0 : i32
    %c0_i32_0 = arith.constant 0 : i32
    return %arg0, %c0_i32 : i32, i32
  }
  func.func @transform_1(%arg0: i32) -> (i32, i32) {
    %c0_i32 = arith.constant 0 : i32
    %c0_i32_0 = arith.constant 0 : i32
    %c0_i32_1 = arith.constant 0 : i32
    return %c0_i32, %c0_i32_0 : i32, i32
  }
  func.func @transform_2(%arg0: i32) -> (i32, i32, i32) {
    %c0_i32 = arith.constant 0 : i32
    %c0_i32_0 = arith.constant 0 : i32
    %c0_i32_1 = arith.constant 0 : i32
    %c0_i32_2 = arith.constant 0 : i32
    return %c0_i32, %c0_i32_0, %c0_i32_1 : i32, i32, i32
  }
  func.func @transform_3(%arg0: i32) -> (i32, i32) {
    %c0_i32 = arith.constant 0 : i32
    %c0_i32_0 = arith.constant 0 : i32
    %c0_i32_1 = arith.constant 0 : i32
    return %c0_i32, %c0_i32_0 : i32, i32
  }
  func.func @transform_4(%arg0: i32) -> (i32, i32) {
    %c0_i32 = arith.constant 0 : i32
    %c0_i32_0 = arith.constant 0 : i32
    return %arg0, %c0_i32 : i32, i32
  }
  func.func @transform_5(%arg0: i32) -> (i32, i32) {
    %c0_i32 = arith.constant 0 : i32
    %c0_i32_0 = arith.constant 0 : i32
    return %arg0, %c0_i32 : i32, i32
  }
}

module attributes {stable_mosaic.version = 14 : i64} {
  func.func @_read_body(%arg0: i32, %arg1: memref<512x128xf32, #tpu.memory_space<vmem>>, %arg2: memref<512x4x128xf32, #tpu.memory_space<vmem>>, %arg3: memref<512x4x256xf32, #tpu.memory_space<vmem>>, %arg4: memref<256x2048xf32, #tpu.memory_space<vmem>>, %arg5: memref<512x2048xf32, #tpu.memory_space<vmem>>) attributes {dimension_semantics = [#tpu.dimension_semantics<arbitrary>], iteration_bounds = array<i64: 16>, scalar_prefetch = 0 : i64, scratch_operands = 0 : i64, tpu.core_type = #tpu.core_type<tc>, window_params = [{transform_indices = @transform_0, window_bounds = array<i64: 512, 128>}, {transform_indices = @transform_1, window_bounds = array<i64: 512, 4, 128>}, {transform_indices = @transform_2, window_bounds = array<i64: 512, 4, 256>}, {pipeline_mode = #tpu.pipeline_mode<synchronous>, transform_indices = @transform_3, window_bounds = array<i64: 256, 2048>}, {transform_indices = @transform_4, window_bounds = array<i64: 512, 2048>}]} {
    %get3A = arith.constant 0 : index
    %get3A_0 = arith.constant 0 : index
    %get3A_1 = vector.load %arg1[%get3A, %get3A_0] : memref<512x128xf32, #tpu.memory_space<vmem>>, vector<512x128xf32>
    %get3A_2 = arith.constant 0 : index
    %get3A_3 = arith.constant 0 : index
    %get3A_4 = arith.constant 0 : index
    %get3A_5 = vector.load %arg2[%get3A_2, %get3A_3, %get3A_4] : memref<512x4x128xf32, #tpu.memory_space<vmem>>, vector<512x1x128xf32>
    %get3A_6 = vector.shape_cast %get3A_5 : vector<512x1x128xf32> to vector<512x128xf32>
    %mul3A = arith.mulf %get3A_1, %get3A_6 : vector<512x128xf32>
    %reduce_sum3A = arith.constant dense<0.000000e+00> : vector<512xf32>
    %reduce_sum3A_7 = vector.multi_reduction <add>, %mul3A, %reduce_sum3A [1] : vector<512x128xf32> to vector<512xf32>
    %broadcast_in_dim3A = vector.shape_cast %reduce_sum3A_7 : vector<512xf32> to vector<512x1xf32>
    %get3A_8 = arith.constant 0 : index
    %get3A_9 = arith.constant 1 : index
    %get3A_10 = arith.constant 0 : index
    %get3A_11 = vector.load %arg2[%get3A_8, %get3A_9, %get3A_10] : memref<512x4x128xf32, #tpu.memory_space<vmem>>, vector<512x1x128xf32>
    %get3A_12 = vector.shape_cast %get3A_11 : vector<512x1x128xf32> to vector<512x128xf32>
    %mul3A_13 = arith.mulf %get3A_1, %get3A_12 : vector<512x128xf32>
    %reduce_sum3A_14 = arith.constant dense<0.000000e+00> : vector<512xf32>
    %reduce_sum3A_15 = vector.multi_reduction <add>, %mul3A_13, %reduce_sum3A_14 [1] : vector<512x128xf32> to vector<512xf32>
    %broadcast_in_dim3A_16 = vector.shape_cast %reduce_sum3A_15 : vector<512xf32> to vector<512x1xf32>
    %get3A_17 = arith.constant 0 : index
    %get3A_18 = arith.constant 2 : index
    %get3A_19 = arith.constant 0 : index
    %get3A_20 = vector.load %arg2[%get3A_17, %get3A_18, %get3A_19] : memref<512x4x128xf32, #tpu.memory_space<vmem>>, vector<512x1x128xf32>
    %get3A_21 = vector.shape_cast %get3A_20 : vector<512x1x128xf32> to vector<512x128xf32>
    %mul3A_22 = arith.mulf %get3A_1, %get3A_21 : vector<512x128xf32>
    %reduce_sum3A_23 = arith.constant dense<0.000000e+00> : vector<512xf32>
    %reduce_sum3A_24 = vector.multi_reduction <add>, %mul3A_22, %reduce_sum3A_23 [1] : vector<512x128xf32> to vector<512xf32>
    %broadcast_in_dim3A_25 = vector.shape_cast %reduce_sum3A_24 : vector<512xf32> to vector<512x1xf32>
    %get3A_26 = arith.constant 0 : index
    %get3A_27 = arith.constant 3 : index
    %get3A_28 = arith.constant 0 : index
    %get3A_29 = vector.load %arg2[%get3A_26, %get3A_27, %get3A_28] : memref<512x4x128xf32, #tpu.memory_space<vmem>>, vector<512x1x128xf32>
    %get3A_30 = vector.shape_cast %get3A_29 : vector<512x1x128xf32> to vector<512x128xf32>
    %mul3A_31 = arith.mulf %get3A_1, %get3A_30 : vector<512x128xf32>
    %reduce_sum3A_32 = arith.constant dense<0.000000e+00> : vector<512xf32>
    %reduce_sum3A_33 = vector.multi_reduction <add>, %mul3A_31, %reduce_sum3A_32 [1] : vector<512x128xf32> to vector<512xf32>
    %broadcast_in_dim3A_34 = vector.shape_cast %reduce_sum3A_33 : vector<512xf32> to vector<512x1xf32>
    %concatenate3A = tpu.concatenate %broadcast_in_dim3A, %broadcast_in_dim3A_16, %broadcast_in_dim3A_25, %broadcast_in_dim3A_34 in 1 : vector<512x1xf32>, vector<512x1xf32>, vector<512x1xf32>, vector<512x1xf32> -> vector<512x4xf32>
    %sqrt3A = arith.constant 1.280000e+02 : f32
    %sqrt3A_35 = math.sqrt %sqrt3A : f32
    %div3A = vector.broadcast %sqrt3A_35 : f32 to vector<512x4xf32>
    %div3A_36 = arith.divf %concatenate3A, %div3A : vector<512x4xf32>
    %reduce_max3A = arith.constant dense<0xFF800000> : vector<512xf32>
    %reduce_max3A_37 = vector.multi_reduction <maximumf>, %div3A_36, %reduce_max3A [1] : vector<512x4xf32> to vector<512xf32>
    %broadcast_in_dim3A_38 = vector.shape_cast %reduce_max3A_37 : vector<512xf32> to vector<512x1xf32>
    %sub3A = vector.broadcast %broadcast_in_dim3A_38 : vector<512x1xf32> to vector<512x4xf32>
    %sub3A_39 = arith.subf %div3A_36, %sub3A : vector<512x4xf32>
    %exp3A = math.exp %sub3A_39 : vector<512x4xf32>
    %reduce_sum3A_40 = arith.constant dense<0.000000e+00> : vector<512xf32>
    %reduce_sum3A_41 = vector.multi_reduction <add>, %exp3A, %reduce_sum3A_40 [1] : vector<512x4xf32> to vector<512xf32>
    %broadcast_in_dim3A_42 = vector.shape_cast %reduce_sum3A_41 : vector<512xf32> to vector<512x1xf32>
    %div3A_43 = vector.broadcast %broadcast_in_dim3A_42 : vector<512x1xf32> to vector<512x4xf32>
    %div3A_44 = arith.divf %exp3A, %div3A_43 : vector<512x4xf32>
    %slice3A = vector.extract_strided_slice %div3A_44 {offsets = [0, 0], sizes = [512, 1], strides = [1, 1]} : vector<512x4xf32> to vector<512x1xf32>
    %get3A_45 = arith.constant 0 : index
    %get3A_46 = arith.constant 0 : index
    %get3A_47 = arith.constant 0 : index
    %get3A_48 = vector.load %arg3[%get3A_45, %get3A_46, %get3A_47] : memref<512x4x256xf32, #tpu.memory_space<vmem>>, vector<512x1x256xf32>
    %get3A_49 = vector.shape_cast %get3A_48 : vector<512x1x256xf32> to vector<512x256xf32>
    %mul3A_50 = vector.broadcast %slice3A : vector<512x1xf32> to vector<512x256xf32>
    %mul3A_51 = arith.mulf %mul3A_50, %get3A_49 : vector<512x256xf32>
    %slice3A_52 = vector.extract_strided_slice %div3A_44 {offsets = [0, 1], sizes = [512, 1], strides = [1, 1]} : vector<512x4xf32> to vector<512x1xf32>
    %get3A_53 = arith.constant 0 : index
    %get3A_54 = arith.constant 1 : index
    %get3A_55 = arith.constant 0 : index
    %get3A_56 = vector.load %arg3[%get3A_53, %get3A_54, %get3A_55] : memref<512x4x256xf32, #tpu.memory_space<vmem>>, vector<512x1x256xf32>
    %get3A_57 = vector.shape_cast %get3A_56 : vector<512x1x256xf32> to vector<512x256xf32>
    %mul3A_58 = vector.broadcast %slice3A_52 : vector<512x1xf32> to vector<512x256xf32>
    %mul3A_59 = arith.mulf %mul3A_58, %get3A_57 : vector<512x256xf32>
    %add3A = arith.addf %mul3A_51, %mul3A_59 : vector<512x256xf32>
    %slice3A_60 = vector.extract_strided_slice %div3A_44 {offsets = [0, 2], sizes = [512, 1], strides = [1, 1]} : vector<512x4xf32> to vector<512x1xf32>
    %get3A_61 = arith.constant 0 : index
    %get3A_62 = arith.constant 2 : index
    %get3A_63 = arith.constant 0 : index
    %get3A_64 = vector.load %arg3[%get3A_61, %get3A_62, %get3A_63] : memref<512x4x256xf32, #tpu.memory_space<vmem>>, vector<512x1x256xf32>
    %get3A_65 = vector.shape_cast %get3A_64 : vector<512x1x256xf32> to vector<512x256xf32>
    %mul3A_66 = vector.broadcast %slice3A_60 : vector<512x1xf32> to vector<512x256xf32>
    %mul3A_67 = arith.mulf %mul3A_66, %get3A_65 : vector<512x256xf32>
    %add3A_68 = arith.addf %add3A, %mul3A_67 : vector<512x256xf32>
    %slice3A_69 = vector.extract_strided_slice %div3A_44 {offsets = [0, 3], sizes = [512, 1], strides = [1, 1]} : vector<512x4xf32> to vector<512x1xf32>
    %get3A_70 = arith.constant 0 : index
    %get3A_71 = arith.constant 3 : index
    %get3A_72 = arith.constant 0 : index
    %get3A_73 = vector.load %arg3[%get3A_70, %get3A_71, %get3A_72] : memref<512x4x256xf32, #tpu.memory_space<vmem>>, vector<512x1x256xf32>
    %get3A_74 = vector.shape_cast %get3A_73 : vector<512x1x256xf32> to vector<512x256xf32>
    %mul3A_75 = vector.broadcast %slice3A_69 : vector<512x1xf32> to vector<512x256xf32>
    %mul3A_76 = arith.mulf %mul3A_75, %get3A_74 : vector<512x256xf32>
    %add3A_77 = arith.addf %add3A_68, %mul3A_76 : vector<512x256xf32>
    %get3A_78 = arith.constant 0 : index
    %get3A_79 = arith.constant 0 : index
    %get3A_80 = vector.load %arg4[%get3A_78, %get3A_79] : memref<256x2048xf32, #tpu.memory_space<vmem>>, vector<256x2048xf32>
    %dot_general3A = arith.constant dense<0.000000e+00> : vector<512x2048xf32>
    %dot_general3A_81 = tpu.matmul %add3A_77, %get3A_80, %dot_general3A {dimension_numbers = #tpu.dot_dimension_numbers<[1], [0], [0], [1], [0, 0, 1, 1], [], []>, transpose_lhs_hint = false} : vector<512x256xf32>, vector<256x2048xf32>, vector<512x2048xf32> -> vector<512x2048xf32>
    %swap3A = arith.constant 0 : index
    %swap3A_82 = arith.constant 0 : index
    %swap3A_83 = vector.load %arg5[%swap3A, %swap3A_82] : memref<512x2048xf32, #tpu.memory_space<vmem>>, vector<512x2048xf32>
    tpu.vector_store %arg5[%swap3A, %swap3A_82], %dot_general3A_81 {strides = array<i32>} : memref<512x2048xf32, #tpu.memory_space<vmem>>, vector<512x2048xf32>,
    return
  }
  func.func @transform_0(%arg0: i32) -> (i32, i32) {
    %c0_i32 = arith.constant 0 : i32
    %c0_i32_0 = arith.constant 0 : i32
    return %arg0, %c0_i32 : i32, i32
  }
  func.func @transform_1(%arg0: i32) -> (i32, i32, i32) {
    %c0_i32 = arith.constant 0 : i32
    %c0_i32_0 = arith.constant 0 : i32
    %c0_i32_1 = arith.constant 0 : i32
    return %arg0, %c0_i32, %c0_i32_0 : i32, i32, i32
  }
  func.func @transform_2(%arg0: i32) -> (i32, i32, i32) {
    %c0_i32 = arith.constant 0 : i32
    %c0_i32_0 = arith.constant 0 : i32
    %c0_i32_1 = arith.constant 0 : i32
    return %arg0, %c0_i32, %c0_i32_0 : i32, i32, i32
  }
  func.func @transform_3(%arg0: i32) -> (i32, i32) {
    %c0_i32 = arith.constant 0 : i32
    %c0_i32_0 = arith.constant 0 : i32
    %c0_i32_1 = arith.constant 0 : i32
    return %c0_i32, %c0_i32_0 : i32, i32
  }
  func.func @transform_4(%arg0: i32) -> (i32, i32) {
    %c0_i32 = arith.constant 0 : i32
    %c0_i32_0 = arith.constant 0 : i32
    return %arg0, %c0_i32 : i32, i32
  }
}

</mosaic_0001>

<sc_bundles>
// kernel: kernel.5.cloned.1.call-start
scs
__scs_entry_jumppad:
0x0: {  	(pc) =	sbr.rel $0x88, $3  }
0x1: {  	(tag) =	ssettag $0x0;
	lr =	simm.s32 $0x1  }
0x2: {  	[smem:$0x3F9A] =	sst lr;
	_ =	strace $0xD0000000  }
0x3: {  	_ = 	snop  }
0x4: {  	_ = 	snop  }
0x5: {  	_ = 	snop  }
0x6: {  	_ = 	snop  }
0x7: {  	_ = 	snop  }
__scs_overlays_trampoline_lowered:
0x8: {  	[smem:$0x3FA9] =	sst s0  }
0x9: {  	[smem:$0x3FAA] =	sst s1  }
0xa: {  	[smem:$0x3FAB] =	sst s2  }
0xb: {  	[smem:$0x3FAC] =	sst s3  }
0xc: {  	[smem:$0x3FAD] =	sst s4  }
0xd: {  	[smem:$0x3FAE] =	sst s5  }
0xe: {  	[smem:$0x3FAF] =	sst s6  }
0xf: {  	[smem:$0x3FB0] =	sst s7  }
0x10: {  	[smem:$0x3FB1] =	sst s8  }
0x11: {  	[smem:$0x3FB2] =	sst s9;
	s0 =	simm.s32 @!p0 $0x0  }
0x12: {  	s1 =	sld [smem:$0x3F98];
	s0 =	simm.s32 @p0 $0x1  }
0x13: {  	[smem:$0x3FB3] =	sst s0;
	s0 =	simm.s32 @!p1 $0x0  }
0x14: {  	s2 =	sld [smem:$0x3F97];
	s0 =	simm.s32 @p1 $0x1  }
0x15: {  	[smem:$0x3FB4] =	sst s0;
	s0 =	simm.s32 @!p2 $0x0  }
0x16: {  	s3 =	sld [smem:$0x3FDB];
	s0 =	simm.s32 @p2 $0x1  }
0x17: {  	s4 =	simm.s32 $0x1BF5;
	[smem:$0x3FB6] =	sst s0  }
0x18: {  	s0 =	sld [smem:$0x3F99];
	_ =	swait.ge [sflag:s4], $0x0  }
0x19: {  	s7 =	sld [smem:$0x3F9A]  }
0x1a: {  	s8 =	sadd.s32 $0xFFFFE003, lr  }
0x1b: {  	s9 =	sadd.s32 $0xFFFFFEF7, lr;
	s5 =	simm.s32 $0xFFFFFFFF;
	p2 =	slt.u32 s8, $0xFFFFF086  }
0x1c: {  	p1 =	slt.u32 s9, $0xF7A;
	s5 =	simm.s32 @!p2 $0x0  }
0x1d: {  	s5 =	simm.s32 @p1 $0x1;
	p0 =	seq.s32 s7, s2  }
0x1e: {  	s7 =	smul.u32 @!p0 $0xF7A, s2;
	p2 =	seq.s32 @!p0 s5, $0x0  }
0x1f: {  	s9 =	smul.u32 $0xF7A, s1;
	s8 =	simm.s32 @!p0 $0x1BF5;
	p2 =	por !p2, p0  }
0x20: {  	[sflag:s8] =	ssyncset.s32 @!p0 $0xFFFFF086;
	s6 =	sadd.s32 @!p0 s3, s7;
	s7 =	simm.s32 @!p0 $0x108  }
0x21: {  	s3 =	sadd.s32 s3, s9;
	s6 =	sadd.s32 @!p0 $0x88, s6;
	s7 =	simm.s32 @p2 $0x1082  }
0x22: {  	[simem:s7], [sflag:s8] =	dma.local @!p0 [hbm:s6], $0xF7A  }
0x23: {  	s9 =	sor.u32 $0xD0000000, s2;
	s6 =	simm.s32 $0x108;
	_ =	swait.ge @!p0 [sflag:s8], $0x0  }
0x24: {  	s3 =	sadd.s32 $0x88, s3;
	s6 =	simm.s32 @!p1 $0x1082;
	[sflag:s4] =	ssyncset.s32 $0xFFFFF086  }
0x25: {  	[simem:s6], [sflag:s4] =	dma.local [hbm:s3], $0xF7A  }
0x26: {  	[smem:$0x3F9A] =	sst s1;
	(tag) =	ssettag s2;
	_ =	strace s9  }
0x27: {  	s1 =	sld [smem:$0x3FAA]  }
0x28: {  	s2 =	sld [smem:$0x3FAB]  }
0x29: {  	s4 =	sld [smem:$0x3FAD]  }
0x2a: {  	p0 =	seq.s32 s5, $0x0;
	s5 =	sld [smem:$0x3FAE]  }
0x2b: {  	s6 =	sld [smem:$0x3FAF]  }
0x2c: {  	s7 =	sld [smem:$0x3FB0]  }
0x2d: {  	s3 =	simm.s32 $0x108;
	s8 =	sld [smem:$0x3FB1]  }
0x2e: {  	s3 =	simm.s32 @!p0 $0x1082;
	s9 =	sld [smem:$0x3FB2]  }
0x2f: {  	lr =	sadd.s32 s0, s3;
	s0 =	sld [smem:$0x3FA9]  }
0x30: {  	s3 =	sld [smem:$0x3FAC]  }
0x31: {  	[smem:$0x3FB5] =	sst s10  }
0x32: {  	s10 =	sld [smem:$0x3FB3];
	_ =	sdelay $0x3  }
0x33: {  	p0 =	seq.s32 s10, $0x1;
	s10 =	sld [smem:$0x3FB5];
	_ =	sdelay $0x3  }
0x34: {  	[smem:$0x3FB5] =	sst s10  }
0x35: {  	s10 =	sld [smem:$0x3FB4];
	_ =	sdelay $0x3  }
0x36: {  	p1 =	seq.s32 s10, $0x1;
	s10 =	sld [smem:$0x3FB5];
	_ =	sdelay $0x3  }
0x37: {  	[smem:$0x3FB5] =	sst s10  }
0x38: {  	s10 =	sld [smem:$0x3FB6]  }
0x39: {  	_ = 	snop;
	(pc) =	sbr.ind lr, $3  }
0x3a: {  	_ = 	snop  }
0x3b: {  	_ = 	snop  }
0x3c: {  	p2 =	seq.s32 s10, $0x1;
	s10 =	sld [smem:$0x3FB5]  }
0x3d: {  	_ =	shalt  }
0x3e: {  	_ =	shalt  }
0x3f: {  	_ =	shalt  }
0x40: {  	_ =	shalt  }
0x41: {  	_ =	shalt  }
0x42: {  	_ =	shalt  }
0x43: {  	_ =	shalt  }
0x44: {  	_ =	shalt  }
0x45: {  	_ =	shalt  }
0x46: {  	_ =	shalt  }
0x47: {  	_ =	shalt  }
0x48: {  	_ =	shalt  }
0x49: {  	_ =	shalt  }
0x4a: {  	_ =	shalt  }
0x4b: {  	_ =	shalt  }
0x4c: {  	_ =	shalt  }
0x4d: {  	_ =	shalt  }
0x4e: {  	_ =	shalt  }
0x4f: {  	_ =	shalt  }
0x50: {  	_ =	shalt  }
0x51: {  	_ =	shalt  }
0x52: {  	_ =	shalt  }
0x53: {  	_ =	shalt  }
0x54: {  	_ =	shalt  }
0x55: {  	_ =	shalt  }
0x56: {  	_ =	shalt  }
0x57: {  	_ =	shalt  }
0x58: {  	_ =	shalt  }
0x59: {  	_ =	shalt  }
0x5a: {  	_ =	shalt  }
0x5b: {  	_ =	shalt  }
0x5c: {  	_ =	shalt  }
0x5d: {  	_ =	shalt  }
0x5e: {  	_ =	shalt  }
0x5f: {  	_ =	shalt  }
0x60: {  	_ =	shalt  }
0x61: {  	_ =	shalt  }
0x62: {  	_ =	shalt  }
0x63: {  	_ =	shalt  }
0x64: {  	_ =	shalt  }
0x65: {  	_ =	shalt  }
0x66: {  	_ =	shalt  }
0x67: {  	_ =	shalt  }
0x68: {  	_ =	shalt  }
0x69: {  	_ =	shalt  }
0x6a: {  	_ =	shalt  }
0x6b: {  	_ =	shalt  }
0x6c: {  	_ =	shalt  }
0x6d: {  	_ =	shalt  }
0x6e: {  	_ =	shalt  }
0x6f: {  	_ =	shalt  }
0x70: {  	_ =	shalt  }
0x71: {  	_ =	shalt  }
0x72: {  	_ =	shalt  }
0x73: {  	_ =	shalt  }
0x74: {  	_ =	shalt  }
0x75: {  	_ =	shalt  }
0x76: {  	_ =	shalt  }
0x77: {  	_ =	shalt  }
0x78: {  	_ =	shalt  }
0x79: {  	_ =	shalt  }
0x7a: {  	_ =	shalt  }
0x7b: {  	_ =	shalt  }
0x7c: {  	_ =	shalt  }
0x7d: {  	_ =	shalt  }
0x7e: {  	_ =	shalt  }
0x7f: {  	_ =	shalt  }
0x80: {  	_ =	shalt  }
0x81: {  	_ =	shalt  }
0x82: {  	_ =	shalt  }
0x83: {  	_ =	shalt  }
0x84: {  	_ =	shalt  }
0x85: {  	_ =	shalt  }
0x86: {  	_ =	shalt  }
0x87: {  	_ =	shalt  }
.Lfunc_end0:
.L_simem_size_0:
called_computation.1_lowered:
.L_overlay_start_0:
0x88: {  	s2 =	sld [smem:$0x3FD9]  }
0x89: {  	s3 =	sld [smem:$0x3FFE];
	_ =	sdelay $0x1  }
0x8a: {  	s1 =	srdreg.scid  }
0x8b: {  	s0 =	sand.u32 $0x1, s1  }
0x8c: {  	s17 =	sshll.u32 s0, $0xA;
	s2 =	sadd.s32 s3, s2  }
0x8d: {  	s2 =	sadd.s32 s2, s17  }
0x8e: {  	[smem:$0x3FC1] =	sst s2  }
0x8f: {  	_ = 	snop  }
0x90: {  	s2 =	sld [smem:$0x3FC8]  }
0x91: {  	s18 =	sld [smem:$0x3FD0];
	(tm) =	ssettm $0x1  }
0x92: {  	s4 =	sld [smem:$0x3FFB];
	_ =	sdelay $0x3  }
0x93: {  	_ =	strace s4  }
0x94: {  	s4 =	sld [smem:$0x3FFC];
	_ =	sdelay $0x3  }
0x95: {  	_ =	strace s4  }
0x96: {  	s4 =	sld [smem:$0x3FFD];
	_ =	sdelay $0x3  }
0x97: {  	_ =	strace s4  }
0x98: {  	_ =	strace $0x8FFFFFFF  }
0x99: {  	s19 =	sld [smem:$0x3FDB];
	_ =	sdelay $0x1  }
0x9a: {  	s5 =	simm.s32 $_scs_section_size  }
0x9b: {  	s6 =	simm.s32 $_size__tile_overlayer_lowered;
	s7 =	simm.s32 $_tile_overlayer_lowered  }
0x9c: {  	s22 =	simm.s32 $0x1BFF;
	s21 =	sshll.u32 s7, $0x1;
	s4 =	sadd.s32 s5, s19  }
0x9d: {  	s8 =	simm.s32 $0x0;
	s20 =	sshll.u32 s6, $0x1;
	s6 =	sadd.s32 s21, s4  }
0x9e: {  	[timem:s8], [sflag:s22] =	dma.local [hbm:s6], s20  }
0x9f: {  	_ =	swait.ge [sflag:s22], s20  }
0xa0: {  	s5 =	ssub.s32 $0x0, s20;
	[sflag:s22] =	ssyncset.done $0x0  }
0xa1: {  	[sflag:s22] =	ssyncadd.s32 s5;
	_ =	sdelay $0x1  }
0xa2: {  	s23 =	simm.s32 $0x1B8B  }
0xa3: {  	_ =	swait.ge [sflag:s23], $0x1  }
0xa4: {  	[sflag:s23] =	ssyncset.done $0x0  }
0xa5: {  	s25 =	simm.s32 $0x1B8E;
	s24 =	sld [smem:$0x3FFE];
	[sflag:s23] =	ssyncadd.s32 $0xFFFFFFFF  }
0xa6: {  	s26 =	simm.s32 $execute0_lowered;
	[smem:$0x3FD2] =	sst s25  }
0xa7: {  	s6 =	sshll.u32 s26, $0x1;
	_ =	strace $0x80000049;
	[dreg:$0x1] =	wrdreg $0xFFFFFFFF  }
0xa8: {  	s28 =	simm.s32 $_size_execute0_lowered;
	s4 =	sadd.s32 s4, s6;
	[dreg:$0x0] =	wrdreg $0x0  }
0xa9: {  	s6 =	sshll.u32 s28, $0x1;
	[dreg:$0x2] =	wrdreg s4  }
0xaa: {  	[dreg:$0x3] =	wrdreg s6  }
0xab: {  	[dreg:$0x4] =	wrdreg $0xC0  }
0xac: {  	_ =	task [dreg:s8], $0x5FFFF  }
0xad: {  	[dreg:$0x1] =	wrdreg $0xFFFFFFFF  }
0xae: {  	[dreg:$0x0] =	wrdreg $0x60  }
0xaf: {  	[dreg:$0x2] =	wrdreg s2  }
0xb0: {  	[dreg:$0x3] =	wrdreg s18  }
0xb1: {  	[dreg:$0x4] =	wrdreg s24  }
0xb2: {  	[dreg:$0x5] =	wrdreg $0x9  }
0xb3: {  	_ =	task.clear_ibuf [dreg:s8], $0x6FFFF;
	_ =	strace $0x90000049  }
0xb4: {  	s29 =	simm.s32 $0x9;
	_ =	strace $0x8000004B  }
0xb5: {  	_ =	swait.ge [sflag:s29], $0x1  }
0xb6: {  	[sflag:s29] =	ssyncadd.s32 $0xFFFFFFFF  }
0xb7: {  	_ =	strace $0x9000004B  }
0xb8: {  	_ =	sfence  }
0xb9: {  	s30 =	sld [smem:$0x0];
	_ =	sdelay $0x2  }
0xba: {  	s31 =	sshll.u32 s1, $0xD;
	s1 =	sshrl.u32 s1, $0x2  }
0xbb: {  	s3 =	sand.u32 $0x4000, s31;
	s1 =	sadd.s32 s1, s30  }
0xbc: {  	s0 =	sor.u32 s3, s0;
	s1 =	sshll.u32 s1, $0x11  }
0xbd: {  	s0 =	sor.u32 s1, s0  }
0xbe: {  	s0 =	sadd.s32 $0x8F2B, s0  }
0xbf: {  	[sflag:s0] =	ssyncadd.remote.s32 $0x1  }
0xc0: {  	_ =	sfence.sel $0xFFFF  }
0xc1: {  	[dreg:$0x0] =	wrdreg $0xFFFFFFFF;
	(pc) =	sbr.abs _section_cstart, $3  }
0xc2: {  	[dreg:$0x1] =	wrdreg $0xFFFFFFFF  }
0xc3: {  	_ =	task.clear_ibuf [dreg:s8], $0x2FFFF;
	_ =	strace $0x9FFFFFFF  }
0xc4: {  	(tm) =	ssettm $0x7FFFFFFF  }
0xc5: {  	_ =	shalt  }
tec
execute0_lowered:
.L_overlay_start_1:
0x0: {  	(tag) =	ssettag $0x1  }
0x1: {  	s1 =	rddreg [dreg:$0x0]  }
0x2: {  	s2 =	srdreg.scid;
	s3 =	rddreg [dreg:$0x1]  }
0x3: {  	s0 =	stileid.u32;
	s5 =	rddreg [dreg:$0x2];
	s4 =	simm.s32 $0x0  }
0x4: {  	s28 =	simm.s32 $0x180;
	s29 =	simm.s32 $0x200;
	s30 =	simm.s32 $0x280  }
0x5: {  	s31 =	simm.s32 $0x300;
	s2 =	sand.u32 $0x1, s2;
	s6 =	sshll.u32 s0, $0xB  }
0x6: {  	[smem:$0x7FF] =	sst s4;
	s9 =	sadd.s32 $0x102200, s5;
	s7 =	sshll.u32 s2, $0xA  }
0x7: {  	_ =	strace $0x8000004A;
	s2 =	ssub.s32 $0x2, s2;
	s6 =	sor.u32 s7, s6  }
0x8: {  	s7 =	sshrl.u32 s6, $0x3;
	s18 =	sshll.u32 s6, $0x4;
	s6 =	sshll.u32 s6, $0x5  }
0x9: {  	s8 =	sadd.s32 s7, s5;
	s5 =	sadd.s32 $0x2200, s5;
	s10 =	sor.u32 $0x10, s7  }
0xa: {  	s23 =	sor.u32 $0x20, s7;
	s25 =	sor.u32 $0x30, s7;
	s12 =	sor.u32 $0x40, s7  }
0xb: {  	s14 =	sor.u32 $0x50, s7;
	s8 =	sadd.s32 $0x1200, s8;
	s6 =	sadd.s32 s5, s6  }
0xc: {  	s19 =	sshll.u32 s10, $0x7;
	s21 =	sshll.u32 s10, $0x8;
	s24 =	sshll.u32 s23, $0x7  }
0xd: {  	s0 =	sshll.u32 s25, $0x7;
	s10 =	sshll.u32 s25, $0x8;
	s13 =	sshll.u32 s12, $0x7  }
0xe: {  	s16 =	sshll.u32 s14, $0x7;
	[dreg:$0x4] =	wrdreg s8;
	s8 =	sadd.s32 s9, s18  }
0xf: {  	[dreg:$0x6] =	wrdreg s6;
	s20 =	sadd.s32 s9, s19;
	s22 =	sadd.s32 s5, s21  }
0x10: {  	s6 =	sadd.s32 s9, s24;
	s11 =	sadd.s32 s5, s10;
	[dreg:$0x5] =	wrdreg s8  }
0x11: {  	s17 =	sadd.s32 s9, s16;
	s18 =	sshll.u32 s14, $0x8;
	[dreg:$0x7] =	wrdreg s20  }
0x12: {  	s21 =	sshrl.u32 s2, $0x1;
	s10 =	simm.s32 $0x4C00;
	[dreg:$0x8] =	wrdreg s22  }
0x13: {  	s14 =	simm.s32 $0x6C00;
	s16 =	simm.s32 $0x7C00;
	[dreg:$0x9] =	wrdreg s6  }
0x14: {  	s8 =	sshll.u32 s23, $0x8;
	[dreg:$0xc] =	wrdreg s11;
	s6 =	sadd.s32 s9, s13  }
0x15: {  	[dreg:$0xf] =	wrdreg s17;
	s19 =	sadd.s32 s5, s18;
	s20 =	sor.u32 $0x60, s7  }
0x16: {  	s7 =	sor.u32 $0x70, s7;
	s2 =	ssub.s32 s2, s21;
	s11 =	simm.s32 $0x5400  }
0x17: {  	s13 =	simm.s32 $0x6400;
	s17 =	simm.s32 $0x8400;
	s18 =	simm.s32 $0x8C00  }
0x18: {  	s21 =	simm.s32 $0xA400;
	s26 =	sadd.s32 s5, s8;
	[dreg:$0xd] =	wrdreg s6  }
0x19: {  	s8 =	sadd.s32 s9, s0;
	[dreg:$0x10] =	wrdreg s19;
	s22 =	sshll.u32 s20, $0x7  }
0x1a: {  	s24 =	sshll.u32 s7, $0x7;
	s7 =	sshll.u32 s7, $0x8;
	[dreg:$0xa] =	wrdreg s26  }
0x1b: {  	s19 =	simm.s32 $0x9400;
	[dreg:$0xb] =	wrdreg s8;
	s8 =	sshll.u32 s12, $0x8  }
0x1c: {  	s6 =	sadd.s32 s9, s22;
	s25 =	sadd.s32 s9, s24;
	s9 =	simm.s32 $0x4400  }
0x1d: {  	s12 =	simm.s32 $0x5C00;
	s22 =	simm.s32 $0xAC00;
	s26 =	simm.s32 $0x100  }
0x1e: {  	s24 =	simm.s32 $0xBC00;
	s15 =	sadd.s32 s5, s8;
	[dreg:$0x11] =	wrdreg s6  }
0x1f: {  	s8 =	sshll.u32 s20, $0x8;
	[dreg:$0x13] =	wrdreg s25;
	s6 =	simm.s32 $0x3  }
0x20: {  	s20 =	simm.s32 $0x9C00;
	[dreg:$0x15] =	wrdreg s26;
	s25 =	simm.s32 $0x1  }
0x21: {  	s26 =	simm.s32 $0x2;
	[dreg:$0xe] =	wrdreg s15;
	s23 =	sadd.s32 s5, s8  }
0x22: {  	v2 =	vlaneseq.u32;
	s5 =	sadd.s32 s5, s7;
	s7 =	simm.s32 $0x80;
	[dreg:$0x12] =	wrdreg s23  }
0x23: {  	vm0 =	vmmov $0xffff;
	v1 =	vshrl.u32 v2, $0x3;
	s8 =	simm.s32 $0x400;
	s15 =	simm.s32 $0x7400;
	[dreg:$0x14] =	wrdreg s5  }
0x24: {  	v0 =	vand.u32 $0x7, v2;
	v2 =	vor.u32 $0x8, v2;
	v1 =	vmul.u32 $0x8, v1;
	s5 =	smax.u32 s2, $0x1;
	s23 =	simm.s32 $0xB400;
	s2 =	simm.s32 $0x380  }
.LBB2_1:
0x25: {  	s0 =	rddreg [dreg:$0x4]  }
0x26: {  	[tilespmem:s4], [sflag:$0x3] =	stream.linear.gather [hbm4b:s0+s4], $0x400, $0x38;
	[tilespmem:$0xC400] =	vst v63  }
0x27: {  	_ =	swait.ge [sflag:s6], $0x400  }
0x28: {  	[sflag:s6] =	ssyncset.done $0x0  }
0x29: {  	[sflag:s6] =	ssyncadd.s32 $0xFFFFFC00  }
0x2a: {  	[tilespmem:s8], [sflag:$0x1] =	stream.indirect.gather [hbm4b:s1+s7], $0x80, s4, s7, $0xb8;
	[tilespmem:$0xC400] =	vst v63  }
0x2b: {  	v3 =	vld [tilespmem:$0x0];
	_ =	sdelay $0x4  }
0x2c: {  	v4 =	vshll.u32 v3, $0x1  }
0x2d: {  	v3 =	vand.u32 $0x7, v3;
	v4 =	vand.u32 $0xFFFFFFF0, v4  }
0x2e: {  	v3 =	vor.u32 v3, v4  }
0x2f: {  	v4 =	vperm.xlane v3, v0;
	_ =	sdelay $0x1  }
0x30: {  	v3 =	vperm.xlane v3, v2;
	v4 =	vadd.s32 v1, v4;
	_ =	sdelay $0x1  }
0x31: {  	v3 =	vadd.s32 v1, v3;
	_ =	sdelay $0x2  }
0x32: {  	[tilespmem:s9], [sflag:$0x2] =	stream.indirect_vreg.gather [hbm4b:s3+s4], $0x80, v4, vm0, $0xb8;
	[tilespmem:$0xC400] =	vst v63  }
0x33: {  	_ = 	snop  }
0x34: {  	[tilespmem:s10], [sflag:$0x2] =	stream.indirect_vreg.gather [hbm4b:s3+s4], $0x80, v3, vm0, $0xb8;
	[tilespmem:$0xC400] =	vst v63  }
0x35: {  	v3 =	vld [tilespmem:$0x10];
	_ =	sdelay $0x4  }
0x36: {  	v57 =	vshll.u32 v3, $0x1  }
0x37: {  	v3 =	vand.u32 $0x7, v3;
	v4 =	vand.u32 $0xFFFFFFF0, v57  }
0x38: {  	v3 =	vor.u32 v3, v4  }
0x39: {  	v4 =	vperm.xlane v3, v0;
	_ =	sdelay $0x1  }
0x3a: {  	v3 =	vperm.xlane v3, v2;
	v4 =	vadd.s32 v1, v4;
	_ =	sdelay $0x1  }
0x3b: {  	v3 =	vadd.s32 v1, v3;
	_ =	sdelay $0x2  }
0x3c: {  	[tilespmem:s11], [sflag:$0x2] =	stream.indirect_vreg.gather [hbm4b:s3+s4], $0x80, v4, vm0, $0xb8;
	[tilespmem:$0xC400] =	vst v63  }
0x3d: {  	_ = 	snop  }
0x3e: {  	[tilespmem:s12], [sflag:$0x2] =	stream.indirect_vreg.gather [hbm4b:s3+s4], $0x80, v3, vm0, $0xb8;
	[tilespmem:$0xC400] =	vst v63  }
0x3f: {  	v3 =	vld [tilespmem:$0x20];
	_ =	sdelay $0x4  }
0x40: {  	v58 =	vshll.u32 v3, $0x1  }
0x41: {  	v3 =	vand.u32 $0x7, v3;
	v4 =	vand.u32 $0xFFFFFFF0, v58  }
0x42: {  	v3 =	vor.u32 v3, v4  }
0x43: {  	v4 =	vperm.xlane v3, v0;
	_ =	sdelay $0x1  }
0x44: {  	v3 =	vperm.xlane v3, v2;
	v4 =	vadd.s32 v1, v4;
	_ =	sdelay $0x1  }
0x45: {  	v3 =	vadd.s32 v1, v3;
	_ =	sdelay $0x2  }
0x46: {  	[tilespmem:s13], [sflag:$0x2] =	stream.indirect_vreg.gather [hbm4b:s3+s4], $0x80, v4, vm0, $0xb8;
	[tilespmem:$0xC400] =	vst v63  }
0x47: {  	_ = 	snop  }
0x48: {  	[tilespmem:s14], [sflag:$0x2] =	stream.indirect_vreg.gather [hbm4b:s3+s4], $0x80, v3, vm0, $0xb8;
	[tilespmem:$0xC400] =	vst v63  }
0x49: {  	v3 =	vld [tilespmem:$0x30];
	_ =	sdelay $0x4  }
0x4a: {  	v59 =	vshll.u32 v3, $0x1  }
0x4b: {  	v3 =	vand.u32 $0x7, v3;
	v4 =	vand.u32 $0xFFFFFFF0, v59  }
0x4c: {  	v3 =	vor.u32 v3, v4  }
0x4d: {  	v4 =	vperm.xlane v3, v0;
	_ =	sdelay $0x1  }
0x4e: {  	v3 =	vperm.xlane v3, v2;
	v4 =	vadd.s32 v1, v4;
	_ =	sdelay $0x1  }
0x4f: {  	v3 =	vadd.s32 v1, v3;
	_ =	sdelay $0x2  }
0x50: {  	[tilespmem:s15], [sflag:$0x2] =	stream.indirect_vreg.gather [hbm4b:s3+s4], $0x80, v4, vm0, $0xb8;
	[tilespmem:$0xC400] =	vst v63  }
0x51: {  	_ = 	snop  }
0x52: {  	[tilespmem:s16], [sflag:$0x2] =	stream.indirect_vreg.gather [hbm4b:s3+s4], $0x80, v3, vm0, $0xb8;
	[tilespmem:$0xC400] =	vst v63  }
0x53: {  	v3 =	vld [tilespmem:$0x40];
	_ =	sdelay $0x4  }
0x54: {  	v60 =	vshll.u32 v3, $0x1  }
0x55: {  	v3 =	vand.u32 $0x7, v3;
	v4 =	vand.u32 $0xFFFFFFF0, v60  }
0x56: {  	v3 =	vor.u32 v3, v4  }
0x57: {  	v4 =	vperm.xlane v3, v0;
	_ =	sdelay $0x1  }
0x58: {  	v3 =	vperm.xlane v3, v2;
	v4 =	vadd.s32 v1, v4;
	_ =	sdelay $0x1  }
0x59: {  	v3 =	vadd.s32 v1, v3;
	_ =	sdelay $0x2  }
0x5a: {  	[tilespmem:s17], [sflag:$0x2] =	stream.indirect_vreg.gather [hbm4b:s3+s4], $0x80, v4, vm0, $0xb8;
	[tilespmem:$0xC400] =	vst v63  }
0x5b: {  	_ = 	snop  }
0x5c: {  	[tilespmem:s18], [sflag:$0x2] =	stream.indirect_vreg.gather [hbm4b:s3+s4], $0x80, v3, vm0, $0xb8;
	[tilespmem:$0xC400] =	vst v63  }
0x5d: {  	v3 =	vld [tilespmem:$0x50];
	_ =	sdelay $0x4  }
0x5e: {  	v61 =	vshll.u32 v3, $0x1  }
0x5f: {  	v3 =	vand.u32 $0x7, v3;
	v4 =	vand.u32 $0xFFFFFFF0, v61  }
0x60: {  	v3 =	vor.u32 v3, v4  }
0x61: {  	v4 =	vperm.xlane v3, v0;
	_ =	sdelay $0x1  }
0x62: {  	v3 =	vperm.xlane v3, v2;
	v4 =	vadd.s32 v1, v4;
	_ =	sdelay $0x1  }
0x63: {  	v3 =	vadd.s32 v1, v3;
	_ =	sdelay $0x2  }
0x64: {  	[tilespmem:s19], [sflag:$0x2] =	stream.indirect_vreg.gather [hbm4b:s3+s4], $0x80, v4, vm0, $0xb8;
	[tilespmem:$0xC400] =	vst v63  }
0x65: {  	_ = 	snop  }
0x66: {  	[tilespmem:s20], [sflag:$0x2] =	stream.indirect_vreg.gather [hbm4b:s3+s4], $0x80, v3, vm0, $0xb8;
	[tilespmem:$0xC400] =	vst v63  }
0x67: {  	v3 =	vld [tilespmem:$0x60];
	_ =	sdelay $0x4  }
0x68: {  	v62 =	vshll.u32 v3, $0x1  }
0x69: {  	v3 =	vand.u32 $0x7, v3;
	v4 =	vand.u32 $0xFFFFFFF0, v62  }
0x6a: {  	v3 =	vor.u32 v3, v4  }
0x6b: {  	v4 =	vperm.xlane v3, v0;
	_ =	sdelay $0x1  }
0x6c: {  	v3 =	vperm.xlane v3, v2;
	v4 =	vadd.s32 v1, v4;
	_ =	sdelay $0x1  }
0x6d: {  	v3 =	vadd.s32 v1, v3;
	_ =	sdelay $0x2  }
0x6e: {  	[tilespmem:s21], [sflag:$0x2] =	stream.indirect_vreg.gather [hbm4b:s3+s4], $0x80, v4, vm0, $0xb8;
	[tilespmem:$0xC400] =	vst v63  }
0x6f: {  	_ = 	snop  }
0x70: {  	[tilespmem:s22], [sflag:$0x2] =	stream.indirect_vreg.gather [hbm4b:s3+s4], $0x80, v3, vm0, $0xb8;
	[tilespmem:$0xC400] =	vst v63  }
0x71: {  	v3 =	vld [tilespmem:$0x70];
	_ =	sdelay $0x4  }
0x72: {  	v63 =	vshll.u32 v3, $0x1  }
0x73: {  	v3 =	vand.u32 $0x7, v3;
	v4 =	vand.u32 $0xFFFFFFF0, v63  }
0x74: {  	v3 =	vor.u32 v3, v4  }
0x75: {  	v4 =	vperm.xlane v3, v0;
	_ =	sdelay $0x1  }
0x76: {  	v3 =	vperm.xlane v3, v2;
	v4 =	vadd.s32 v1, v4;
	_ =	sdelay $0x1  }
0x77: {  	v3 =	vadd.s32 v1, v3;
	_ =	sdelay $0x2  }
0x78: {  	[tilespmem:s23], [sflag:$0x2] =	stream.indirect_vreg.gather [hbm4b:s3+s4], $0x80, v4, vm0, $0xb8;
	[tilespmem:$0xC400] =	vst v63  }
0x79: {  	_ = 	snop  }
0x7a: {  	[tilespmem:s24], [sflag:$0x2] =	stream.indirect_vreg.gather [hbm4b:s3+s4], $0x80, v3, vm0, $0xb8;
	[tilespmem:$0xC400] =	vst v63  }
0x7b: {  	_ =	swait.ge [sflag:s25], $0x4000  }
0x7c: {  	[sflag:s25] =	ssyncset.done $0x0  }
0x7d: {  	[sflag:s25] =	ssyncadd.s32 $0xFFFFC000  }
0x7e: {  	_ =	swait.ge [sflag:s26], $0x8000  }
0x7f: {  	[sflag:s26] =	ssyncset.done $0x0  }
0x80: {  	s0 =	rddreg [dreg:$0x5];
	[sflag:s26] =	ssyncadd.s32 $0xFFFF8000  }
0x81: {  	[hbm4b:s0+s4] =	stream.linear.scatter [tilespmem:s8], [sflag:$0x3], $0x4000, $0x38;
	[tilespmem:$0xC400] =	vst v63  }
0x82: {  	_ =	swait.ge [sflag:s6], $0x4000  }
0x83: {  	[sflag:s6] =	ssyncset.done $0x0  }
0x84: {  	s0 =	rddreg [dreg:$0x6];
	[sflag:s6] =	ssyncadd.s32 $0xFFFFC000  }
0x85: {  	[hbm4b:s0+s4] =	stream.linear.scatter [tilespmem:s9], [sflag:$0x3], $0x8000, $0x38;
	[tilespmem:$0xC400] =	vst v63  }
0x86: {  	_ =	swait.ge [sflag:s6], $0x8000  }
0x87: {  	[sflag:s6] =	ssyncset.done $0x0  }
0x88: {  	[sflag:s6] =	ssyncadd.s32 $0xFFFF8000  }
0x89: {  	[tilespmem:s8], [sflag:$0x1] =	stream.indirect.gather [hbm4b:s1+s7], $0x80, s7, s7, $0xb8;
	[tilespmem:$0xC400] =	vst v63  }
0x8a: {  	v3 =	vld [tilespmem:$0x80];
	_ =	sdelay $0x4  }
0x8b: {  	v8 =	vshll.u32 v3, $0x1  }
0x8c: {  	v3 =	vand.u32 $0x7, v3;
	v4 =	vand.u32 $0xFFFFFFF0, v8  }
0x8d: {  	v3 =	vor.u32 v3, v4  }
0x8e: {  	v4 =	vperm.xlane v3, v0;
	_ =	sdelay $0x1  }
0x8f: {  	v3 =	vperm.xlane v3, v2;
	v4 =	vadd.s32 v1, v4;
	_ =	sdelay $0x1  }
0x90: {  	v3 =	vadd.s32 v1, v3;
	_ =	sdelay $0x2  }
0x91: {  	[tilespmem:s9], [sflag:$0x2] =	stream.indirect_vreg.gather [hbm4b:s3+s4], $0x80, v4, vm0, $0xb8;
	[tilespmem:$0xC400] =	vst v63  }
0x92: {  	_ = 	snop  }
0x93: {  	[tilespmem:s10], [sflag:$0x2] =	stream.indirect_vreg.gather [hbm4b:s3+s4], $0x80, v3, vm0, $0xb8;
	[tilespmem:$0xC400] =	vst v63  }
0x94: {  	v3 =	vld [tilespmem:$0x90];
	_ =	sdelay $0x4  }
0x95: {  	v9 =	vshll.u32 v3, $0x1  }
0x96: {  	v3 =	vand.u32 $0x7, v3;
	v4 =	vand.u32 $0xFFFFFFF0, v9  }
0x97: {  	v3 =	vor.u32 v3, v4  }
0x98: {  	v4 =	vperm.xlane v3, v0;
	_ =	sdelay $0x1  }
0x99: {  	v3 =	vperm.xlane v3, v2;
	v4 =	vadd.s32 v1, v4;
	_ =	sdelay $0x1  }
0x9a: {  	v3 =	vadd.s32 v1, v3;
	_ =	sdelay $0x2  }
0x9b: {  	[tilespmem:s11], [sflag:$0x2] =	stream.indirect_vreg.gather [hbm4b:s3+s4], $0x80, v4, vm0, $0xb8;
	[tilespmem:$0xC400] =	vst v63  }
0x9c: {  	_ = 	snop  }
0x9d: {  	[tilespmem:s12], [sflag:$0x2] =	stream.indirect_vreg.gather [hbm4b:s3+s4], $0x80, v3, vm0, $0xb8;
	[tilespmem:$0xC400] =	vst v63  }
0x9e: {  	v3 =	vld [tilespmem:$0xA0];
	_ =	sdelay $0x4  }
0x9f: {  	v10 =	vshll.u32 v3, $0x1  }
0xa0: {  	v3 =	vand.u32 $0x7, v3;
	v4 =	vand.u32 $0xFFFFFFF0, v10  }
0xa1: {  	v3 =	vor.u32 v3, v4  }
0xa2: {  	v4 =	vperm.xlane v3, v0;
	_ =	sdelay $0x1  }
0xa3: {  	v3 =	vperm.xlane v3, v2;
	v4 =	vadd.s32 v1, v4;
	_ =	sdelay $0x1  }
0xa4: {  	v3 =	vadd.s32 v1, v3;
	_ =	sdelay $0x2  }
0xa5: {  	[tilespmem:s13], [sflag:$0x2] =	stream.indirect_vreg.gather [hbm4b:s3+s4], $0x80, v4, vm0, $0xb8;
	[tilespmem:$0xC400] =	vst v63  }
0xa6: {  	_ = 	snop  }
0xa7: {  	[tilespmem:s14], [sflag:$0x2] =	stream.indirect_vreg.gather [hbm4b:s3+s4], $0x80, v3, vm0, $0xb8;
	[tilespmem:$0xC400] =	vst v63  }
0xa8: {  	v3 =	vld [tilespmem:$0xB0];
	_ =	sdelay $0x4  }
0xa9: {  	v11 =	vshll.u32 v3, $0x1  }
0xaa: {  	v3 =	vand.u32 $0x7, v3;
	v4 =	vand.u32 $0xFFFFFFF0, v11  }
0xab: {  	v3 =	vor.u32 v3, v4  }
0xac: {  	v4 =	vperm.xlane v3, v0;
	_ =	sdelay $0x1  }
0xad: {  	v3 =	vperm.xlane v3, v2;
	v4 =	vadd.s32 v1, v4;
	_ =	sdelay $0x1  }
0xae: {  	v3 =	vadd.s32 v1, v3;
	_ =	sdelay $0x2  }
0xaf: {  	[tilespmem:s15], [sflag:$0x2] =	stream.indirect_vreg.gather [hbm4b:s3+s4], $0x80, v4, vm0, $0xb8;
	[tilespmem:$0xC400] =	vst v63  }
0xb0: {  	_ = 	snop  }
0xb1: {  	[tilespmem:s16], [sflag:$0x2] =	stream.indirect_vreg.gather [hbm4b:s3+s4], $0x80, v3, vm0, $0xb8;
	[tilespmem:$0xC400] =	vst v63  }
0xb2: {  	v3 =	vld [tilespmem:$0xC0];
	_ =	sdelay $0x4  }
0xb3: {  	v12 =	vshll.u32 v3, $0x1  }
0xb4: {  	v3 =	vand.u32 $0x7, v3;
	v4 =	vand.u32 $0xFFFFFFF0, v12  }
0xb5: {  	v3 =	vor.u32 v3, v4  }
0xb6: {  	v4 =	vperm.xlane v3, v0;
	_ =	sdelay $0x1  }
0xb7: {  	v3 =	vperm.xlane v3, v2;
	v4 =	vadd.s32 v1, v4;
	_ =	sdelay $0x1  }
0xb8: {  	v3 =	vadd.s32 v1, v3;
	_ =	sdelay $0x2  }
0xb9: {  	[tilespmem:s17], [sflag:$0x2] =	stream.indirect_vreg.gather [hbm4b:s3+s4], $0x80, v4, vm0, $0xb8;
	[tilespmem:$0xC400] =	vst v63  }
0xba: {  	_ = 	snop  }
0xbb: {  	[tilespmem:s18], [sflag:$0x2] =	stream.indirect_vreg.gather [hbm4b:s3+s4], $0x80, v3, vm0, $0xb8;
	[tilespmem:$0xC400] =	vst v63  }
0xbc: {  	v3 =	vld [tilespmem:$0xD0];
	_ =	sdelay $0x4  }
0xbd: {  	v13 =	vshll.u32 v3, $0x1  }
0xbe: {  	v3 =	vand.u32 $0x7, v3;
	v4 =	vand.u32 $0xFFFFFFF0, v13  }
0xbf: {  	v3 =	vor.u32 v3, v4  }
0xc0: {  	v4 =	vperm.xlane v3, v0;
	_ =	sdelay $0x1  }
0xc1: {  	v3 =	vperm.xlane v3, v2;
	v4 =	vadd.s32 v1, v4;
	_ =	sdelay $0x1  }
0xc2: {  	v3 =	vadd.s32 v1, v3;
	_ =	sdelay $0x2  }
0xc3: {  	[tilespmem:s19], [sflag:$0x2] =	stream.indirect_vreg.gather [hbm4b:s3+s4], $0x80, v4, vm0, $0xb8;
	[tilespmem:$0xC400] =	vst v63  }
0xc4: {  	_ = 	snop  }
0xc5: {  	[tilespmem:s20], [sflag:$0x2] =	stream.indirect_vreg.gather [hbm4b:s3+s4], $0x80, v3, vm0, $0xb8;
	[tilespmem:$0xC400] =	vst v63  }
0xc6: {  	v3 =	vld [tilespmem:$0xE0];
	_ =	sdelay $0x4  }
0xc7: {  	v14 =	vshll.u32 v3, $0x1  }
0xc8: {  	v3 =	vand.u32 $0x7, v3;
	v4 =	vand.u32 $0xFFFFFFF0, v14  }
0xc9: {  	v3 =	vor.u32 v3, v4  }
0xca: {  	v4 =	vperm.xlane v3, v0;
	_ =	sdelay $0x1  }
0xcb: {  	v3 =	vperm.xlane v3, v2;
	v4 =	vadd.s32 v1, v4;
	_ =	sdelay $0x1  }
0xcc: {  	v3 =	vadd.s32 v1, v3;
	_ =	sdelay $0x2  }
0xcd: {  	[tilespmem:s21], [sflag:$0x2] =	stream.indirect_vreg.gather [hbm4b:s3+s4], $0x80, v4, vm0, $0xb8;
	[tilespmem:$0xC400] =	vst v63  }
0xce: {  	_ = 	snop  }
0xcf: {  	[tilespmem:s22], [sflag:$0x2] =	stream.indirect_vreg.gather [hbm4b:s3+s4], $0x80, v3, vm0, $0xb8;
	[tilespmem:$0xC400] =	vst v63  }
0xd0: {  	v3 =	vld [tilespmem:$0xF0];
	_ =	sdelay $0x4  }
0xd1: {  	v15 =	vshll.u32 v3, $0x1  }
0xd2: {  	v3 =	vand.u32 $0x7, v3;
	v4 =	vand.u32 $0xFFFFFFF0, v15  }
0xd3: {  	v3 =	vor.u32 v3, v4  }
0xd4: {  	v4 =	vperm.xlane v3, v0;
	_ =	sdelay $0x1  }
0xd5: {  	v3 =	vperm.xlane v3, v2;
	v4 =	vadd.s32 v1, v4;
	_ =	sdelay $0x1  }
0xd6: {  	v3 =	vadd.s32 v1, v3;
	_ =	sdelay $0x2  }
0xd7: {  	[tilespmem:s23], [sflag:$0x2] =	stream.indirect_vreg.gather [hbm4b:s3+s4], $0x80, v4, vm0, $0xb8;
	[tilespmem:$0xC400] =	vst v63  }
0xd8: {  	_ = 	snop  }
0xd9: {  	[tilespmem:s24], [sflag:$0x2] =	stream.indirect_vreg.gather [hbm4b:s3+s4], $0x80, v3, vm0, $0xb8;
	[tilespmem:$0xC400] =	vst v63  }
0xda: {  	_ =	swait.ge [sflag:s25], $0x4000  }
0xdb: {  	[sflag:s25] =	ssyncset.done $0x0  }
0xdc: {  	[sflag:s25] =	ssyncadd.s32 $0xFFFFC000  }
0xdd: {  	_ =	swait.ge [sflag:s26], $0x8000  }
0xde: {  	[sflag:s26] =	ssyncset.done $0x0  }
0xdf: {  	s0 =	rddreg [dreg:$0x7];
	[sflag:s26] =	ssyncadd.s32 $0xFFFF8000  }
0xe0: {  	[hbm4b:s0+s4] =	stream.linear.scatter [tilespmem:s8], [sflag:$0x3], $0x4000, $0x38;
	[tilespmem:$0xC400] =	vst v63  }
0xe1: {  	_ =	swait.ge [sflag:s6], $0x4000  }
0xe2: {  	[sflag:s6] =	ssyncset.done $0x0  }
0xe3: {  	s0 =	rddreg [dreg:$0x8];
	[sflag:s6] =	ssyncadd.s32 $0xFFFFC000  }
0xe4: {  	[hbm4b:s0+s4] =	stream.linear.scatter [tilespmem:s9], [sflag:$0x3], $0x8000, $0x38;
	[tilespmem:$0xC400] =	vst v63  }
0xe5: {  	_ =	swait.ge [sflag:s6], $0x8000  }
0xe6: {  	[sflag:s6] =	ssyncset.done $0x0  }
0xe7: {  	s0 =	rddreg [dreg:$0x15];
	[sflag:s6] =	ssyncadd.s32 $0xFFFF8000  }
0xe8: {  	[tilespmem:s8], [sflag:$0x1] =	stream.indirect.gather [hbm4b:s1+s7], $0x80, s0, s7, $0xb8;
	[tilespmem:$0xC400] =	vst v63  }
0xe9: {  	v3 =	vld [tilespmem:$0x100];
	_ =	sdelay $0x4  }
0xea: {  	v16 =	vshll.u32 v3, $0x1  }
0xeb: {  	v3 =	vand.u32 $0x7, v3;
	v4 =	vand.u32 $0xFFFFFFF0, v16  }
0xec: {  	v3 =	vor.u32 v3, v4  }
0xed: {  	v4 =	vperm.xlane v3, v0;
	_ =	sdelay $0x1  }
0xee: {  	v3 =	vperm.xlane v3, v2;
	v4 =	vadd.s32 v1, v4;
	_ =	sdelay $0x1  }
0xef: {  	v3 =	vadd.s32 v1, v3;
	_ =	sdelay $0x2  }
0xf0: {  	[tilespmem:s9], [sflag:$0x2] =	stream.indirect_vreg.gather [hbm4b:s3+s4], $0x80, v4, vm0, $0xb8;
	[tilespmem:$0xC400] =	vst v63  }
0xf1: {  	_ = 	snop  }
0xf2: {  	[tilespmem:s10], [sflag:$0x2] =	stream.indirect_vreg.gather [hbm4b:s3+s4], $0x80, v3, vm0, $0xb8;
	[tilespmem:$0xC400] =	vst v63  }
0xf3: {  	v3 =	vld [tilespmem:$0x110];
	_ =	sdelay $0x4  }
0xf4: {  	v17 =	vshll.u32 v3, $0x1  }
0xf5: {  	v3 =	vand.u32 $0x7, v3;
	v4 =	vand.u32 $0xFFFFFFF0, v17  }
0xf6: {  	v3 =	vor.u32 v3, v4  }
0xf7: {  	v4 =	vperm.xlane v3, v0;
	_ =	sdelay $0x1  }
0xf8: {  	v3 =	vperm.xlane v3, v2;
	v4 =	vadd.s32 v1, v4;
	_ =	sdelay $0x1  }
0xf9: {  	v3 =	vadd.s32 v1, v3;
	_ =	sdelay $0x2  }
0xfa: {  	[tilespmem:s11], [sflag:$0x2] =	stream.indirect_vreg.gather [hbm4b:s3+s4], $0x80, v4, vm0, $0xb8;
	[tilespmem:$0xC400] =	vst v63  }
0xfb: {  	_ = 	snop  }
0xfc: {  	[tilespmem:s12], [sflag:$0x2] =	stream.indirect_vreg.gather [hbm4b:s3+s4], $0x80, v3, vm0, $0xb8;
	[tilespmem:$0xC400] =	vst v63  }
0xfd: {  	v3 =	vld [tilespmem:$0x120];
	_ =	sdelay $0x4  }
0xfe: {  	v18 =	vshll.u32 v3, $0x1  }
0xff: {  	v3 =	vand.u32 $0x7, v3;
	v4 =	vand.u32 $0xFFFFFFF0, v18  }
0x100: {  	v3 =	vor.u32 v3, v4  }
0x101: {  	v4 =	vperm.xlane v3, v0;
	_ =	sdelay $0x1  }
0x102: {  	v3 =	vperm.xlane v3, v2;
	v4 =	vadd.s32 v1, v4;
	_ =	sdelay $0x1  }
0x103: {  	v3 =	vadd.s32 v1, v3;
	_ =	sdelay $0x2  }
0x104: {  	[tilespmem:s13], [sflag:$0x2] =	stream.indirect_vreg.gather [hbm4b:s3+s4], $0x80, v4, vm0, $0xb8;
	[tilespmem:$0xC400] =	vst v63  }
0x105: {  	_ = 	snop  }
0x106: {  	[tilespmem:s14], [sflag:$0x2] =	stream.indirect_vreg.gather [hbm4b:s3+s4], $0x80, v3, vm0, $0xb8;
	[tilespmem:$0xC400] =	vst v63  }
0x107: {  	v3 =	vld [tilespmem:$0x130];
	_ =	sdelay $0x4  }
0x108: {  	v19 =	vshll.u32 v3, $0x1  }
0x109: {  	v3 =	vand.u32 $0x7, v3;
	v4 =	vand.u32 $0xFFFFFFF0, v19  }
0x10a: {  	v3 =	vor.u32 v3, v4  }
0x10b: {  	v4 =	vperm.xlane v3, v0;
	_ =	sdelay $0x1  }
0x10c: {  	v3 =	vperm.xlane v3, v2;
	v4 =	vadd.s32 v1, v4;
	_ =	sdelay $0x1  }
0x10d: {  	v3 =	vadd.s32 v1, v3;
	_ =	sdelay $0x2  }
0x10e: {  	[tilespmem:s15], [sflag:$0x2] =	stream.indirect_vreg.gather [hbm4b:s3+s4], $0x80, v4, vm0, $0xb8;
	[tilespmem:$0xC400] =	vst v63  }
0x10f: {  	_ = 	snop  }
0x110: {  	[tilespmem:s16], [sflag:$0x2] =	stream.indirect_vreg.gather [hbm4b:s3+s4], $0x80, v3, vm0, $0xb8;
	[tilespmem:$0xC400] =	vst v63  }
0x111: {  	v3 =	vld [tilespmem:$0x140];
	_ =	sdelay $0x4  }
0x112: {  	v20 =	vshll.u32 v3, $0x1  }
0x113: {  	v3 =	vand.u32 $0x7, v3;
	v4 =	vand.u32 $0xFFFFFFF0, v20  }
0x114: {  	v3 =	vor.u32 v3, v4  }
0x115: {  	v4 =	vperm.xlane v3, v0;
	_ =	sdelay $0x1  }
0x116: {  	v3 =	vperm.xlane v3, v2;
	v4 =	vadd.s32 v1, v4;
	_ =	sdelay $0x1  }
0x117: {  	v3 =	vadd.s32 v1, v3;
	_ =	sdelay $0x2  }
0x118: {  	[tilespmem:s17], [sflag:$0x2] =	stream.indirect_vreg.gather [hbm4b:s3+s4], $0x80, v4, vm0, $0xb8;
	[tilespmem:$0xC400] =	vst v63  }
0x119: {  	_ = 	snop  }
0x11a: {  	[tilespmem:s18], [sflag:$0x2] =	stream.indirect_vreg.gather [hbm4b:s3+s4], $0x80, v3, vm0, $0xb8;
	[tilespmem:$0xC400] =	vst v63  }
0x11b: {  	v3 =	vld [tilespmem:$0x150];
	_ =	sdelay $0x4  }
0x11c: {  	v21 =	vshll.u32 v3, $0x1  }
0x11d: {  	v3 =	vand.u32 $0x7, v3;
	v4 =	vand.u32 $0xFFFFFFF0, v21  }
0x11e: {  	v3 =	vor.u32 v3, v4  }
0x11f: {  	v4 =	vperm.xlane v3, v0;
	_ =	sdelay $0x1  }
0x120: {  	v3 =	vperm.xlane v3, v2;
	v4 =	vadd.s32 v1, v4;
	_ =	sdelay $0x1  }
0x121: {  	v3 =	vadd.s32 v1, v3;
	_ =	sdelay $0x2  }
0x122: {  	[tilespmem:s19], [sflag:$0x2] =	stream.indirect_vreg.gather [hbm4b:s3+s4], $0x80, v4, vm0, $0xb8;
	[tilespmem:$0xC400] =	vst v63  }
0x123: {  	_ = 	snop  }
0x124: {  	[tilespmem:s20], [sflag:$0x2] =	stream.indirect_vreg.gather [hbm4b:s3+s4], $0x80, v3, vm0, $0xb8;
	[tilespmem:$0xC400] =	vst v63  }
0x125: {  	v3 =	vld [tilespmem:$0x160];
	_ =	sdelay $0x4  }
0x126: {  	v22 =	vshll.u32 v3, $0x1  }
0x127: {  	v3 =	vand.u32 $0x7, v3;
	v4 =	vand.u32 $0xFFFFFFF0, v22  }
0x128: {  	v3 =	vor.u32 v3, v4  }
0x129: {  	v4 =	vperm.xlane v3, v0;
	_ =	sdelay $0x1  }
0x12a: {  	v3 =	vperm.xlane v3, v2;
	v4 =	vadd.s32 v1, v4;
	_ =	sdelay $0x1  }
0x12b: {  	v3 =	vadd.s32 v1, v3;
	_ =	sdelay $0x2  }
0x12c: {  	[tilespmem:s21], [sflag:$0x2] =	stream.indirect_vreg.gather [hbm4b:s3+s4], $0x80, v4, vm0, $0xb8;
	[tilespmem:$0xC400] =	vst v63  }
0x12d: {  	_ = 	snop  }
0x12e: {  	[tilespmem:s22], [sflag:$0x2] =	stream.indirect_vreg.gather [hbm4b:s3+s4], $0x80, v3, vm0, $0xb8;
	[tilespmem:$0xC400] =	vst v63  }
0x12f: {  	v3 =	vld [tilespmem:$0x170];
	_ =	sdelay $0x4  }
0x130: {  	v23 =	vshll.u32 v3, $0x1  }
0x131: {  	v3 =	vand.u32 $0x7, v3;
	v4 =	vand.u32 $0xFFFFFFF0, v23  }
0x132: {  	v3 =	vor.u32 v3, v4  }
0x133: {  	v4 =	vperm.xlane v3, v0;
	_ =	sdelay $0x1  }
0x134: {  	v3 =	vperm.xlane v3, v2;
	v4 =	vadd.s32 v1, v4;
	_ =	sdelay $0x1  }
0x135: {  	v3 =	vadd.s32 v1, v3;
	_ =	sdelay $0x2  }
0x136: {  	[tilespmem:s23], [sflag:$0x2] =	stream.indirect_vreg.gather [hbm4b:s3+s4], $0x80, v4, vm0, $0xb8;
	[tilespmem:$0xC400] =	vst v63  }
0x137: {  	_ = 	snop  }
0x138: {  	[tilespmem:s24], [sflag:$0x2] =	stream.indirect_vreg.gather [hbm4b:s3+s4], $0x80, v3, vm0, $0xb8;
	[tilespmem:$0xC400] =	vst v63  }
0x139: {  	_ =	swait.ge [sflag:s25], $0x4000  }
0x13a: {  	[sflag:s25] =	ssyncset.done $0x0  }
0x13b: {  	[sflag:s25] =	ssyncadd.s32 $0xFFFFC000  }
0x13c: {  	_ =	swait.ge [sflag:s26], $0x8000  }
0x13d: {  	[sflag:s26] =	ssyncset.done $0x0  }
0x13e: {  	s0 =	rddreg [dreg:$0x9];
	[sflag:s26] =	ssyncadd.s32 $0xFFFF8000  }
0x13f: {  	[hbm4b:s0+s4] =	stream.linear.scatter [tilespmem:s8], [sflag:$0x3], $0x4000, $0x38;
	[tilespmem:$0xC400] =	vst v63  }
0x140: {  	_ =	swait.ge [sflag:s6], $0x4000  }
0x141: {  	[sflag:s6] =	ssyncset.done $0x0  }
0x142: {  	s0 =	rddreg [dreg:$0xa];
	[sflag:s6] =	ssyncadd.s32 $0xFFFFC000  }
0x143: {  	[hbm4b:s0+s4] =	stream.linear.scatter [tilespmem:s9], [sflag:$0x3], $0x8000, $0x38;
	[tilespmem:$0xC400] =	vst v63  }
0x144: {  	_ =	swait.ge [sflag:s6], $0x8000  }
0x145: {  	[sflag:s6] =	ssyncset.done $0x0  }
0x146: {  	[sflag:s6] =	ssyncadd.s32 $0xFFFF8000  }
0x147: {  	[tilespmem:s8], [sflag:$0x1] =	stream.indirect.gather [hbm4b:s1+s7], $0x80, s28, s7, $0xb8;
	[tilespmem:$0xC400] =	vst v63  }
0x148: {  	v3 =	vld [tilespmem:$0x180];
	_ =	sdelay $0x4  }
0x149: {  	v24 =	vshll.u32 v3, $0x1  }
0x14a: {  	v3 =	vand.u32 $0x7, v3;
	v4 =	vand.u32 $0xFFFFFFF0, v24  }
0x14b: {  	v3 =	vor.u32 v3, v4  }
0x14c: {  	v4 =	vperm.xlane v3, v0;
	_ =	sdelay $0x1  }
0x14d: {  	v3 =	vperm.xlane v3, v2;
	v4 =	vadd.s32 v1, v4;
	_ =	sdelay $0x1  }
0x14e: {  	v3 =	vadd.s32 v1, v3;
	_ =	sdelay $0x2  }
0x14f: {  	[tilespmem:s9], [sflag:$0x2] =	stream.indirect_vreg.gather [hbm4b:s3+s4], $0x80, v4, vm0, $0xb8;
	[tilespmem:$0xC400] =	vst v63  }
0x150: {  	_ = 	snop  }
0x151: {  	[tilespmem:s10], [sflag:$0x2] =	stream.indirect_vreg.gather [hbm4b:s3+s4], $0x80, v3, vm0, $0xb8;
	[tilespmem:$0xC400] =	vst v63  }
0x152: {  	v3 =	vld [tilespmem:$0x190];
	_ =	sdelay $0x4  }
0x153: {  	v25 =	vshll.u32 v3, $0x1  }
0x154: {  	v3 =	vand.u32 $0x7, v3;
	v4 =	vand.u32 $0xFFFFFFF0, v25  }
0x155: {  	v3 =	vor.u32 v3, v4  }
0x156: {  	v4 =	vperm.xlane v3, v0;
	_ =	sdelay $0x1  }
0x157: {  	v3 =	vperm.xlane v3, v2;
	v4 =	vadd.s32 v1, v4;
	_ =	sdelay $0x1  }
0x158: {  	v3 =	vadd.s32 v1, v3;
	_ =	sdelay $0x2  }
0x159: {  	[tilespmem:s11], [sflag:$0x2] =	stream.indirect_vreg.gather [hbm4b:s3+s4], $0x80, v4, vm0, $0xb8;
	[tilespmem:$0xC400] =	vst v63  }
0x15a: {  	_ = 	snop  }
0x15b: {  	[tilespmem:s12], [sflag:$0x2] =	stream.indirect_vreg.gather [hbm4b:s3+s4], $0x80, v3, vm0, $0xb8;
	[tilespmem:$0xC400] =	vst v63  }
0x15c: {  	v3 =	vld [tilespmem:$0x1A0];
	_ =	sdelay $0x4  }
0x15d: {  	v26 =	vshll.u32 v3, $0x1  }
0x15e: {  	v3 =	vand.u32 $0x7, v3;
	v4 =	vand.u32 $0xFFFFFFF0, v26  }
0x15f: {  	v3 =	vor.u32 v3, v4  }
0x160: {  	v4 =	vperm.xlane v3, v0;
	_ =	sdelay $0x1  }
0x161: {  	v3 =	vperm.xlane v3, v2;
	v4 =	vadd.s32 v1, v4;
	_ =	sdelay $0x1  }
0x162: {  	v3 =	vadd.s32 v1, v3;
	_ =	sdelay $0x2  }
0x163: {  	[tilespmem:s13], [sflag:$0x2] =	stream.indirect_vreg.gather [hbm4b:s3+s4], $0x80, v4, vm0, $0xb8;
	[tilespmem:$0xC400] =	vst v63  }
0x164: {  	_ = 	snop  }
0x165: {  	[tilespmem:s14], [sflag:$0x2] =	stream.indirect_vreg.gather [hbm4b:s3+s4], $0x80, v3, vm0, $0xb8;
	[tilespmem:$0xC400] =	vst v63  }
0x166: {  	v3 =	vld [tilespmem:$0x1B0];
	_ =	sdelay $0x4  }
0x167: {  	v27 =	vshll.u32 v3, $0x1  }
0x168: {  	v3 =	vand.u32 $0x7, v3;
	v4 =	vand.u32 $0xFFFFFFF0, v27  }
0x169: {  	v3 =	vor.u32 v3, v4  }
0x16a: {  	v4 =	vperm.xlane v3, v0;
	_ =	sdelay $0x1  }
0x16b: {  	v3 =	vperm.xlane v3, v2;
	v4 =	vadd.s32 v1, v4;
	_ =	sdelay $0x1  }
0x16c: {  	v3 =	vadd.s32 v1, v3;
	_ =	sdelay $0x2  }
0x16d: {  	[tilespmem:s15], [sflag:$0x2] =	stream.indirect_vreg.gather [hbm4b:s3+s4], $0x80, v4, vm0, $0xb8;
	[tilespmem:$0xC400] =	vst v63  }
0x16e: {  	_ = 	snop  }
0x16f: {  	[tilespmem:s16], [sflag:$0x2] =	stream.indirect_vreg.gather [hbm4b:s3+s4], $0x80, v3, vm0, $0xb8;
	[tilespmem:$0xC400] =	vst v63  }
0x170: {  	v3 =	vld [tilespmem:$0x1C0];
	_ =	sdelay $0x4  }
0x171: {  	v28 =	vshll.u32 v3, $0x1  }
0x172: {  	v3 =	vand.u32 $0x7, v3;
	v4 =	vand.u32 $0xFFFFFFF0, v28  }
0x173: {  	v3 =	vor.u32 v3, v4  }
0x174: {  	v4 =	vperm.xlane v3, v0;
	_ =	sdelay $0x1  }
0x175: {  	v3 =	vperm.xlane v3, v2;
	v4 =	vadd.s32 v1, v4;
	_ =	sdelay $0x1  }
0x176: {  	v3 =	vadd.s32 v1, v3;
	_ =	sdelay $0x2  }
0x177: {  	[tilespmem:s17], [sflag:$0x2] =	stream.indirect_vreg.gather [hbm4b:s3+s4], $0x80, v4, vm0, $0xb8;
	[tilespmem:$0xC400] =	vst v63  }
0x178: {  	_ = 	snop  }
0x179: {  	[tilespmem:s18], [sflag:$0x2] =	stream.indirect_vreg.gather [hbm4b:s3+s4], $0x80, v3, vm0, $0xb8;
	[tilespmem:$0xC400] =	vst v63  }
0x17a: {  	v3 =	vld [tilespmem:$0x1D0];
	_ =	sdelay $0x4  }
0x17b: {  	v29 =	vshll.u32 v3, $0x1  }
0x17c: {  	v3 =	vand.u32 $0x7, v3;
	v4 =	vand.u32 $0xFFFFFFF0, v29  }
0x17d: {  	v3 =	vor.u32 v3, v4  }
0x17e: {  	v4 =	vperm.xlane v3, v0;
	_ =	sdelay $0x1  }
0x17f: {  	v3 =	vperm.xlane v3, v2;
	v4 =	vadd.s32 v1, v4;
	_ =	sdelay $0x1  }
0x180: {  	v3 =	vadd.s32 v1, v3;
	_ =	sdelay $0x2  }
0x181: {  	[tilespmem:s19], [sflag:$0x2] =	stream.indirect_vreg.gather [hbm4b:s3+s4], $0x80, v4, vm0, $0xb8;
	[tilespmem:$0xC400] =	vst v63  }
0x182: {  	_ = 	snop  }
0x183: {  	[tilespmem:s20], [sflag:$0x2] =	stream.indirect_vreg.gather [hbm4b:s3+s4], $0x80, v3, vm0, $0xb8;
	[tilespmem:$0xC400] =	vst v63  }
0x184: {  	v3 =	vld [tilespmem:$0x1E0];
	_ =	sdelay $0x4  }
0x185: {  	v30 =	vshll.u32 v3, $0x1  }
0x186: {  	v3 =	vand.u32 $0x7, v3;
	v4 =	vand.u32 $0xFFFFFFF0, v30  }
0x187: {  	v3 =	vor.u32 v3, v4  }
0x188: {  	v4 =	vperm.xlane v3, v0;
	_ =	sdelay $0x1  }
0x189: {  	v3 =	vperm.xlane v3, v2;
	v4 =	vadd.s32 v1, v4;
	_ =	sdelay $0x1  }
0x18a: {  	v3 =	vadd.s32 v1, v3;
	_ =	sdelay $0x2  }
0x18b: {  	[tilespmem:s21], [sflag:$0x2] =	stream.indirect_vreg.gather [hbm4b:s3+s4], $0x80, v4, vm0, $0xb8;
	[tilespmem:$0xC400] =	vst v63  }
0x18c: {  	_ = 	snop  }
0x18d: {  	[tilespmem:s22], [sflag:$0x2] =	stream.indirect_vreg.gather [hbm4b:s3+s4], $0x80, v3, vm0, $0xb8;
	[tilespmem:$0xC400] =	vst v63  }
0x18e: {  	v3 =	vld [tilespmem:$0x1F0];
	_ =	sdelay $0x4  }
0x18f: {  	v31 =	vshll.u32 v3, $0x1  }
0x190: {  	v3 =	vand.u32 $0x7, v3;
	v4 =	vand.u32 $0xFFFFFFF0, v31  }
0x191: {  	v3 =	vor.u32 v3, v4  }
0x192: {  	v4 =	vperm.xlane v3, v0;
	_ =	sdelay $0x1  }
0x193: {  	v3 =	vperm.xlane v3, v2;
	v4 =	vadd.s32 v1, v4;
	_ =	sdelay $0x1  }
0x194: {  	v3 =	vadd.s32 v1, v3;
	_ =	sdelay $0x2  }
0x195: {  	[tilespmem:s23], [sflag:$0x2] =	stream.indirect_vreg.gather [hbm4b:s3+s4], $0x80, v4, vm0, $0xb8;
	[tilespmem:$0xC400] =	vst v63  }
0x196: {  	_ = 	snop  }
0x197: {  	[tilespmem:s24], [sflag:$0x2] =	stream.indirect_vreg.gather [hbm4b:s3+s4], $0x80, v3, vm0, $0xb8;
	[tilespmem:$0xC400] =	vst v63  }
0x198: {  	_ =	swait.ge [sflag:s25], $0x4000  }
0x199: {  	[sflag:s25] =	ssyncset.done $0x0  }
0x19a: {  	[sflag:s25] =	ssyncadd.s32 $0xFFFFC000  }
0x19b: {  	_ =	swait.ge [sflag:s26], $0x8000  }
0x19c: {  	[sflag:s26] =	ssyncset.done $0x0  }
0x19d: {  	s0 =	rddreg [dreg:$0xb];
	[sflag:s26] =	ssyncadd.s32 $0xFFFF8000  }
0x19e: {  	[hbm4b:s0+s4] =	stream.linear.scatter [tilespmem:s8], [sflag:$0x3], $0x4000, $0x38;
	[tilespmem:$0xC400] =	vst v63  }
0x19f: {  	_ =	swait.ge [sflag:s6], $0x4000  }
0x1a0: {  	[sflag:s6] =	ssyncset.done $0x0  }
0x1a1: {  	s0 =	rddreg [dreg:$0xc];
	[sflag:s6] =	ssyncadd.s32 $0xFFFFC000  }
0x1a2: {  	[hbm4b:s0+s4] =	stream.linear.scatter [tilespmem:s9], [sflag:$0x3], $0x8000, $0x38;
	[tilespmem:$0xC400] =	vst v63  }
0x1a3: {  	_ =	swait.ge [sflag:s6], $0x8000  }
0x1a4: {  	[sflag:s6] =	ssyncset.done $0x0  }
0x1a5: {  	[sflag:s6] =	ssyncadd.s32 $0xFFFF8000  }
0x1a6: {  	[tilespmem:s8], [sflag:$0x1] =	stream.indirect.gather [hbm4b:s1+s7], $0x80, s29, s7, $0xb8;
	[tilespmem:$0xC400] =	vst v63  }
0x1a7: {  	v3 =	vld [tilespmem:$0x200];
	_ =	sdelay $0x4  }
0x1a8: {  	v32 =	vshll.u32 v3, $0x1  }
0x1a9: {  	v3 =	vand.u32 $0x7, v3;
	v4 =	vand.u32 $0xFFFFFFF0, v32  }
0x1aa: {  	v3 =	vor.u32 v3, v4  }
0x1ab: {  	v4 =	vperm.xlane v3, v0;
	_ =	sdelay $0x1  }
0x1ac: {  	v3 =	vperm.xlane v3, v2;
	v4 =	vadd.s32 v1, v4;
	_ =	sdelay $0x1  }
0x1ad: {  	v3 =	vadd.s32 v1, v3;
	_ =	sdelay $0x2  }
0x1ae: {  	[tilespmem:s9], [sflag:$0x2] =	stream.indirect_vreg.gather [hbm4b:s3+s4], $0x80, v4, vm0, $0xb8;
	[tilespmem:$0xC400] =	vst v63  }
0x1af: {  	_ = 	snop  }
0x1b0: {  	[tilespmem:s10], [sflag:$0x2] =	stream.indirect_vreg.gather [hbm4b:s3+s4], $0x80, v3, vm0, $0xb8;
	[tilespmem:$0xC400] =	vst v63  }
0x1b1: {  	v3 =	vld [tilespmem:$0x210];
	_ =	sdelay $0x4  }
0x1b2: {  	v33 =	vshll.u32 v3, $0x1  }
0x1b3: {  	v3 =	vand.u32 $0x7, v3;
	v4 =	vand.u32 $0xFFFFFFF0, v33  }
0x1b4: {  	v3 =	vor.u32 v3, v4  }
0x1b5: {  	v4 =	vperm.xlane v3, v0;
	_ =	sdelay $0x1  }
0x1b6: {  	v3 =	vperm.xlane v3, v2;
	v4 =	vadd.s32 v1, v4;
	_ =	sdelay $0x1  }
0x1b7: {  	v3 =	vadd.s32 v1, v3;
	_ =	sdelay $0x2  }
0x1b8: {  	[tilespmem:s11], [sflag:$0x2] =	stream.indirect_vreg.gather [hbm4b:s3+s4], $0x80, v4, vm0, $0xb8;
	[tilespmem:$0xC400] =	vst v63  }
0x1b9: {  	_ = 	snop  }
0x1ba: {  	[tilespmem:s12], [sflag:$0x2] =	stream.indirect_vreg.gather [hbm4b:s3+s4], $0x80, v3, vm0, $0xb8;
	[tilespmem:$0xC400] =	vst v63  }
0x1bb: {  	v3 =	vld [tilespmem:$0x220];
	_ =	sdelay $0x4  }
0x1bc: {  	v34 =	vshll.u32 v3, $0x1  }
0x1bd: {  	v3 =	vand.u32 $0x7, v3;
	v4 =	vand.u32 $0xFFFFFFF0, v34  }
0x1be: {  	v3 =	vor.u32 v3, v4  }
0x1bf: {  	v4 =	vperm.xlane v3, v0;
	_ =	sdelay $0x1  }
0x1c0: {  	v3 =	vperm.xlane v3, v2;
	v4 =	vadd.s32 v1, v4;
	_ =	sdelay $0x1  }
0x1c1: {  	v3 =	vadd.s32 v1, v3;
	_ =	sdelay $0x2  }
0x1c2: {  	[tilespmem:s13], [sflag:$0x2] =	stream.indirect_vreg.gather [hbm4b:s3+s4], $0x80, v4, vm0, $0xb8;
	[tilespmem:$0xC400] =	vst v63  }
0x1c3: {  	_ = 	snop  }
0x1c4: {  	[tilespmem:s14], [sflag:$0x2] =	stream.indirect_vreg.gather [hbm4b:s3+s4], $0x80, v3, vm0, $0xb8;
	[tilespmem:$0xC400] =	vst v63  }
0x1c5: {  	v3 =	vld [tilespmem:$0x230];
	_ =	sdelay $0x4  }
0x1c6: {  	v35 =	vshll.u32 v3, $0x1  }
0x1c7: {  	v3 =	vand.u32 $0x7, v3;
	v4 =	vand.u32 $0xFFFFFFF0, v35  }
0x1c8: {  	v3 =	vor.u32 v3, v4  }
0x1c9: {  	v4 =	vperm.xlane v3, v0;
	_ =	sdelay $0x1  }
0x1ca: {  	v3 =	vperm.xlane v3, v2;
	v4 =	vadd.s32 v1, v4;
	_ =	sdelay $0x1  }
0x1cb: {  	v3 =	vadd.s32 v1, v3;
	_ =	sdelay $0x2  }
0x1cc: {  	[tilespmem:s15], [sflag:$0x2] =	stream.indirect_vreg.gather [hbm4b:s3+s4], $0x80, v4, vm0, $0xb8;
	[tilespmem:$0xC400] =	vst v63  }
0x1cd: {  	_ = 	snop  }
0x1ce: {  	[tilespmem:s16], [sflag:$0x2] =	stream.indirect_vreg.gather [hbm4b:s3+s4], $0x80, v3, vm0, $0xb8;
	[tilespmem:$0xC400] =	vst v63  }
0x1cf: {  	v3 =	vld [tilespmem:$0x240];
	_ =	sdelay $0x4  }
0x1d0: {  	v36 =	vshll.u32 v3, $0x1  }
0x1d1: {  	v3 =	vand.u32 $0x7, v3;
	v4 =	vand.u32 $0xFFFFFFF0, v36  }
0x1d2: {  	v3 =	vor.u32 v3, v4  }
0x1d3: {  	v4 =	vperm.xlane v3, v0;
	_ =	sdelay $0x1  }
0x1d4: {  	v3 =	vperm.xlane v3, v2;
	v4 =	vadd.s32 v1, v4;
	_ =	sdelay $0x1  }
0x1d5: {  	v3 =	vadd.s32 v1, v3;
	_ =	sdelay $0x2  }
0x1d6: {  	[tilespmem:s17], [sflag:$0x2] =	stream.indirect_vreg.gather [hbm4b:s3+s4], $0x80, v4, vm0, $0xb8;
	[tilespmem:$0xC400] =	vst v63  }
0x1d7: {  	_ = 	snop  }
0x1d8: {  	[tilespmem:s18], [sflag:$0x2] =	stream.indirect_vreg.gather [hbm4b:s3+s4], $0x80, v3, vm0, $0xb8;
	[tilespmem:$0xC400] =	vst v63  }
0x1d9: {  	v3 =	vld [tilespmem:$0x250];
	_ =	sdelay $0x4  }
0x1da: {  	v37 =	vshll.u32 v3, $0x1  }
0x1db: {  	v3 =	vand.u32 $0x7, v3;
	v4 =	vand.u32 $0xFFFFFFF0, v37  }
0x1dc: {  	v3 =	vor.u32 v3, v4  }
0x1dd: {  	v4 =	vperm.xlane v3, v0;
	_ =	sdelay $0x1  }
0x1de: {  	v3 =	vperm.xlane v3, v2;
	v4 =	vadd.s32 v1, v4;
	_ =	sdelay $0x1  }
0x1df: {  	v3 =	vadd.s32 v1, v3;
	_ =	sdelay $0x2  }
0x1e0: {  	[tilespmem:s19], [sflag:$0x2] =	stream.indirect_vreg.gather [hbm4b:s3+s4], $0x80, v4, vm0, $0xb8;
	[tilespmem:$0xC400] =	vst v63  }
0x1e1: {  	_ = 	snop  }
0x1e2: {  	[tilespmem:s20], [sflag:$0x2] =	stream.indirect_vreg.gather [hbm4b:s3+s4], $0x80, v3, vm0, $0xb8;
	[tilespmem:$0xC400] =	vst v63  }
0x1e3: {  	v3 =	vld [tilespmem:$0x260];
	_ =	sdelay $0x4  }
0x1e4: {  	v38 =	vshll.u32 v3, $0x1  }
0x1e5: {  	v3 =	vand.u32 $0x7, v3;
	v4 =	vand.u32 $0xFFFFFFF0, v38  }
0x1e6: {  	v3 =	vor.u32 v3, v4  }
0x1e7: {  	v4 =	vperm.xlane v3, v0;
	_ =	sdelay $0x1  }
0x1e8: {  	v3 =	vperm.xlane v3, v2;
	v4 =	vadd.s32 v1, v4;
	_ =	sdelay $0x1  }
0x1e9: {  	v3 =	vadd.s32 v1, v3;
	_ =	sdelay $0x2  }
0x1ea: {  	[tilespmem:s21], [sflag:$0x2] =	stream.indirect_vreg.gather [hbm4b:s3+s4], $0x80, v4, vm0, $0xb8;
	[tilespmem:$0xC400] =	vst v63  }
0x1eb: {  	_ = 	snop  }
0x1ec: {  	[tilespmem:s22], [sflag:$0x2] =	stream.indirect_vreg.gather [hbm4b:s3+s4], $0x80, v3, vm0, $0xb8;
	[tilespmem:$0xC400] =	vst v63  }
0x1ed: {  	v3 =	vld [tilespmem:$0x270];
	_ =	sdelay $0x4  }
0x1ee: {  	v39 =	vshll.u32 v3, $0x1  }
0x1ef: {  	v3 =	vand.u32 $0x7, v3;
	v4 =	vand.u32 $0xFFFFFFF0, v39  }
0x1f0: {  	v3 =	vor.u32 v3, v4  }
0x1f1: {  	v4 =	vperm.xlane v3, v0;
	_ =	sdelay $0x1  }
0x1f2: {  	v3 =	vperm.xlane v3, v2;
	v4 =	vadd.s32 v1, v4;
	_ =	sdelay $0x1  }
0x1f3: {  	v3 =	vadd.s32 v1, v3;
	_ =	sdelay $0x2  }
0x1f4: {  	[tilespmem:s23], [sflag:$0x2] =	stream.indirect_vreg.gather [hbm4b:s3+s4], $0x80, v4, vm0, $0xb8;
	[tilespmem:$0xC400] =	vst v63  }
0x1f5: {  	_ = 	snop  }
0x1f6: {  	[tilespmem:s24], [sflag:$0x2] =	stream.indirect_vreg.gather [hbm4b:s3+s4], $0x80, v3, vm0, $0xb8;
	[tilespmem:$0xC400] =	vst v63  }
0x1f7: {  	_ =	swait.ge [sflag:s25], $0x4000  }
0x1f8: {  	[sflag:s25] =	ssyncset.done $0x0  }
0x1f9: {  	[sflag:s25] =	ssyncadd.s32 $0xFFFFC000  }
0x1fa: {  	_ =	swait.ge [sflag:s26], $0x8000  }
0x1fb: {  	[sflag:s26] =	ssyncset.done $0x0  }
0x1fc: {  	s0 =	rddreg [dreg:$0xd];
	[sflag:s26] =	ssyncadd.s32 $0xFFFF8000  }
0x1fd: {  	[hbm4b:s0+s4] =	stream.linear.scatter [tilespmem:s8], [sflag:$0x3], $0x4000, $0x38;
	[tilespmem:$0xC400] =	vst v63  }
0x1fe: {  	_ =	swait.ge [sflag:s6], $0x4000  }
0x1ff: {  	[sflag:s6] =	ssyncset.done $0x0  }
0x200: {  	s0 =	rddreg [dreg:$0xe];
	[sflag:s6] =	ssyncadd.s32 $0xFFFFC000  }
0x201: {  	[hbm4b:s0+s4] =	stream.linear.scatter [tilespmem:s9], [sflag:$0x3], $0x8000, $0x38;
	[tilespmem:$0xC400] =	vst v63  }
0x202: {  	_ =	swait.ge [sflag:s6], $0x8000  }
0x203: {  	[sflag:s6] =	ssyncset.done $0x0  }
0x204: {  	[sflag:s6] =	ssyncadd.s32 $0xFFFF8000  }
0x205: {  	[tilespmem:s8], [sflag:$0x1] =	stream.indirect.gather [hbm4b:s1+s7], $0x80, s30, s7, $0xb8;
	[tilespmem:$0xC400] =	vst v63  }
0x206: {  	v3 =	vld [tilespmem:$0x280];
	_ =	sdelay $0x4  }
0x207: {  	v40 =	vshll.u32 v3, $0x1  }
0x208: {  	v3 =	vand.u32 $0x7, v3;
	v4 =	vand.u32 $0xFFFFFFF0, v40  }
0x209: {  	v3 =	vor.u32 v3, v4  }
0x20a: {  	v4 =	vperm.xlane v3, v0;
	_ =	sdelay $0x1  }
0x20b: {  	v3 =	vperm.xlane v3, v2;
	v4 =	vadd.s32 v1, v4;
	_ =	sdelay $0x1  }
0x20c: {  	v3 =	vadd.s32 v1, v3;
	_ =	sdelay $0x2  }
0x20d: {  	[tilespmem:s9], [sflag:$0x2] =	stream.indirect_vreg.gather [hbm4b:s3+s4], $0x80, v4, vm0, $0xb8;
	[tilespmem:$0xC400] =	vst v63  }
0x20e: {  	_ = 	snop  }
0x20f: {  	[tilespmem:s10], [sflag:$0x2] =	stream.indirect_vreg.gather [hbm4b:s3+s4], $0x80, v3, vm0, $0xb8;
	[tilespmem:$0xC400] =	vst v63  }
0x210: {  	v3 =	vld [tilespmem:$0x290];
	_ =	sdelay $0x4  }
0x211: {  	v41 =	vshll.u32 v3, $0x1  }
0x212: {  	v3 =	vand.u32 $0x7, v3;
	v4 =	vand.u32 $0xFFFFFFF0, v41  }
0x213: {  	v3 =	vor.u32 v3, v4  }
0x214: {  	v4 =	vperm.xlane v3, v0;
	_ =	sdelay $0x1  }
0x215: {  	v3 =	vperm.xlane v3, v2;
	v4 =	vadd.s32 v1, v4;
	_ =	sdelay $0x1  }
0x216: {  	v3 =	vadd.s32 v1, v3;
	_ =	sdelay $0x2  }
0x217: {  	[tilespmem:s11], [sflag:$0x2] =	stream.indirect_vreg.gather [hbm4b:s3+s4], $0x80, v4, vm0, $0xb8;
	[tilespmem:$0xC400] =	vst v63  }
0x218: {  	_ = 	snop  }
0x219: {  	[tilespmem:s12], [sflag:$0x2] =	stream.indirect_vreg.gather [hbm4b:s3+s4], $0x80, v3, vm0, $0xb8;
	[tilespmem:$0xC400] =	vst v63  }
0x21a: {  	v3 =	vld [tilespmem:$0x2A0];
	_ =	sdelay $0x4  }
0x21b: {  	v42 =	vshll.u32 v3, $0x1  }
0x21c: {  	v3 =	vand.u32 $0x7, v3;
	v4 =	vand.u32 $0xFFFFFFF0, v42  }
0x21d: {  	v3 =	vor.u32 v3, v4  }
0x21e: {  	v4 =	vperm.xlane v3, v0;
	_ =	sdelay $0x1  }
0x21f: {  	v3 =	vperm.xlane v3, v2;
	v4 =	vadd.s32 v1, v4;
	_ =	sdelay $0x1  }
0x220: {  	v3 =	vadd.s32 v1, v3;
	_ =	sdelay $0x2  }
0x221: {  	[tilespmem:s13], [sflag:$0x2] =	stream.indirect_vreg.gather [hbm4b:s3+s4], $0x80, v4, vm0, $0xb8;
	[tilespmem:$0xC400] =	vst v63  }
0x222: {  	_ = 	snop  }
0x223: {  	[tilespmem:s14], [sflag:$0x2] =	stream.indirect_vreg.gather [hbm4b:s3+s4], $0x80, v3, vm0, $0xb8;
	[tilespmem:$0xC400] =	vst v63  }
0x224: {  	v3 =	vld [tilespmem:$0x2B0];
	_ =	sdelay $0x4  }
0x225: {  	v43 =	vshll.u32 v3, $0x1  }
0x226: {  	v3 =	vand.u32 $0x7, v3;
	v4 =	vand.u32 $0xFFFFFFF0, v43  }
0x227: {  	v3 =	vor.u32 v3, v4  }
0x228: {  	v4 =	vperm.xlane v3, v0;
	_ =	sdelay $0x1  }
0x229: {  	v3 =	vperm.xlane v3, v2;
	v4 =	vadd.s32 v1, v4;
	_ =	sdelay $0x1  }
0x22a: {  	v3 =	vadd.s32 v1, v3;
	_ =	sdelay $0x2  }
0x22b: {  	[tilespmem:s15], [sflag:$0x2] =	stream.indirect_vreg.gather [hbm4b:s3+s4], $0x80, v4, vm0, $0xb8;
	[tilespmem:$0xC400] =	vst v63  }
0x22c: {  	_ = 	snop  }
0x22d: {  	[tilespmem:s16], [sflag:$0x2] =	stream.indirect_vreg.gather [hbm4b:s3+s4], $0x80, v3, vm0, $0xb8;
	[tilespmem:$0xC400] =	vst v63  }
0x22e: {  	v3 =	vld [tilespmem:$0x2C0];
	_ =	sdelay $0x4  }
0x22f: {  	v44 =	vshll.u32 v3, $0x1  }
0x230: {  	v3 =	vand.u32 $0x7, v3;
	v4 =	vand.u32 $0xFFFFFFF0, v44  }
0x231: {  	v3 =	vor.u32 v3, v4  }
0x232: {  	v4 =	vperm.xlane v3, v0;
	_ =	sdelay $0x1  }
0x233: {  	v3 =	vperm.xlane v3, v2;
	v4 =	vadd.s32 v1, v4;
	_ =	sdelay $0x1  }
0x234: {  	v3 =	vadd.s32 v1, v3;
	_ =	sdelay $0x2  }
0x235: {  	[tilespmem:s17], [sflag:$0x2] =	stream.indirect_vreg.gather [hbm4b:s3+s4], $0x80, v4, vm0, $0xb8;
	[tilespmem:$0xC400] =	vst v63  }
0x236: {  	_ = 	snop  }
0x237: {  	[tilespmem:s18], [sflag:$0x2] =	stream.indirect_vreg.gather [hbm4b:s3+s4], $0x80, v3, vm0, $0xb8;
	[tilespmem:$0xC400] =	vst v63  }
0x238: {  	v3 =	vld [tilespmem:$0x2D0];
	_ =	sdelay $0x4  }
0x239: {  	v45 =	vshll.u32 v3, $0x1  }
0x23a: {  	v3 =	vand.u32 $0x7, v3;
	v4 =	vand.u32 $0xFFFFFFF0, v45  }
0x23b: {  	v3 =	vor.u32 v3, v4  }
0x23c: {  	v4 =	vperm.xlane v3, v0;
	_ =	sdelay $0x1  }
0x23d: {  	v3 =	vperm.xlane v3, v2;
	v4 =	vadd.s32 v1, v4;
	_ =	sdelay $0x1  }
0x23e: {  	v3 =	vadd.s32 v1, v3;
	_ =	sdelay $0x2  }
0x23f: {  	[tilespmem:s19], [sflag:$0x2] =	stream.indirect_vreg.gather [hbm4b:s3+s4], $0x80, v4, vm0, $0xb8;
	[tilespmem:$0xC400] =	vst v63  }
0x240: {  	_ = 	snop  }
0x241: {  	[tilespmem:s20], [sflag:$0x2] =	stream.indirect_vreg.gather [hbm4b:s3+s4], $0x80, v3, vm0, $0xb8;
	[tilespmem:$0xC400] =	vst v63  }
0x242: {  	v3 =	vld [tilespmem:$0x2E0];
	_ =	sdelay $0x4  }
0x243: {  	v46 =	vshll.u32 v3, $0x1  }
0x244: {  	v3 =	vand.u32 $0x7, v3;
	v4 =	vand.u32 $0xFFFFFFF0, v46  }
0x245: {  	v3 =	vor.u32 v3, v4  }
0x246: {  	v4 =	vperm.xlane v3, v0;
	_ =	sdelay $0x1  }
0x247: {  	v3 =	vperm.xlane v3, v2;
	v4 =	vadd.s32 v1, v4;
	_ =	sdelay $0x1  }
0x248: {  	v3 =	vadd.s32 v1, v3;
	_ =	sdelay $0x2  }
0x249: {  	[tilespmem:s21], [sflag:$0x2] =	stream.indirect_vreg.gather [hbm4b:s3+s4], $0x80, v4, vm0, $0xb8;
	[tilespmem:$0xC400] =	vst v63  }
0x24a: {  	_ = 	snop  }
0x24b: {  	[tilespmem:s22], [sflag:$0x2] =	stream.indirect_vreg.gather [hbm4b:s3+s4], $0x80, v3, vm0, $0xb8;
	[tilespmem:$0xC400] =	vst v63  }
0x24c: {  	v3 =	vld [tilespmem:$0x2F0];
	_ =	sdelay $0x4  }
0x24d: {  	v47 =	vshll.u32 v3, $0x1  }
0x24e: {  	v3 =	vand.u32 $0x7, v3;
	v4 =	vand.u32 $0xFFFFFFF0, v47  }
0x24f: {  	v3 =	vor.u32 v3, v4  }
0x250: {  	v4 =	vperm.xlane v3, v0;
	_ =	sdelay $0x1  }
0x251: {  	v3 =	vperm.xlane v3, v2;
	v4 =	vadd.s32 v1, v4;
	_ =	sdelay $0x1  }
0x252: {  	v3 =	vadd.s32 v1, v3;
	_ =	sdelay $0x2  }
0x253: {  	[tilespmem:s23], [sflag:$0x2] =	stream.indirect_vreg.gather [hbm4b:s3+s4], $0x80, v4, vm0, $0xb8;
	[tilespmem:$0xC400] =	vst v63  }
0x254: {  	_ = 	snop  }
0x255: {  	[tilespmem:s24], [sflag:$0x2] =	stream.indirect_vreg.gather [hbm4b:s3+s4], $0x80, v3, vm0, $0xb8;
	[tilespmem:$0xC400] =	vst v63  }
0x256: {  	_ =	swait.ge [sflag:s25], $0x4000  }
0x257: {  	[sflag:s25] =	ssyncset.done $0x0  }
0x258: {  	[sflag:s25] =	ssyncadd.s32 $0xFFFFC000  }
0x259: {  	_ =	swait.ge [sflag:s26], $0x8000  }
0x25a: {  	[sflag:s26] =	ssyncset.done $0x0  }
0x25b: {  	s0 =	rddreg [dreg:$0xf];
	[sflag:s26] =	ssyncadd.s32 $0xFFFF8000  }
0x25c: {  	[hbm4b:s0+s4] =	stream.linear.scatter [tilespmem:s8], [sflag:$0x3], $0x4000, $0x38;
	[tilespmem:$0xC400] =	vst v63  }
0x25d: {  	_ =	swait.ge [sflag:s6], $0x4000  }
0x25e: {  	[sflag:s6] =	ssyncset.done $0x0  }
0x25f: {  	s0 =	rddreg [dreg:$0x10];
	[sflag:s6] =	ssyncadd.s32 $0xFFFFC000  }
0x260: {  	[hbm4b:s0+s4] =	stream.linear.scatter [tilespmem:s9], [sflag:$0x3], $0x8000, $0x38;
	[tilespmem:$0xC400] =	vst v63  }
0x261: {  	_ =	swait.ge [sflag:s6], $0x8000  }
0x262: {  	[sflag:s6] =	ssyncset.done $0x0  }
0x263: {  	[sflag:s6] =	ssyncadd.s32 $0xFFFF8000  }
0x264: {  	[tilespmem:s8], [sflag:$0x1] =	stream.indirect.gather [hbm4b:s1+s7], $0x80, s31, s7, $0xb8;
	[tilespmem:$0xC400] =	vst v63  }
0x265: {  	v3 =	vld [tilespmem:$0x300];
	_ =	sdelay $0x4  }
0x266: {  	v48 =	vshll.u32 v3, $0x1  }
0x267: {  	v3 =	vand.u32 $0x7, v3;
	v4 =	vand.u32 $0xFFFFFFF0, v48  }
0x268: {  	v3 =	vor.u32 v3, v4  }
0x269: {  	v4 =	vperm.xlane v3, v0;
	_ =	sdelay $0x1  }
0x26a: {  	v3 =	vperm.xlane v3, v2;
	v4 =	vadd.s32 v1, v4;
	_ =	sdelay $0x1  }
0x26b: {  	v3 =	vadd.s32 v1, v3;
	_ =	sdelay $0x2  }
0x26c: {  	[tilespmem:s9], [sflag:$0x2] =	stream.indirect_vreg.gather [hbm4b:s3+s4], $0x80, v4, vm0, $0xb8;
	[tilespmem:$0xC400] =	vst v63  }
0x26d: {  	_ = 	snop  }
0x26e: {  	[tilespmem:s10], [sflag:$0x2] =	stream.indirect_vreg.gather [hbm4b:s3+s4], $0x80, v3, vm0, $0xb8;
	[tilespmem:$0xC400] =	vst v63  }
0x26f: {  	v3 =	vld [tilespmem:$0x310];
	_ =	sdelay $0x4  }
0x270: {  	v49 =	vshll.u32 v3, $0x1  }
0x271: {  	v3 =	vand.u32 $0x7, v3;
	v4 =	vand.u32 $0xFFFFFFF0, v49  }
0x272: {  	v3 =	vor.u32 v3, v4  }
0x273: {  	v4 =	vperm.xlane v3, v0;
	_ =	sdelay $0x1  }
0x274: {  	v3 =	vperm.xlane v3, v2;
	v4 =	vadd.s32 v1, v4;
	_ =	sdelay $0x1  }
0x275: {  	v3 =	vadd.s32 v1, v3;
	_ =	sdelay $0x2  }
0x276: {  	[tilespmem:s11], [sflag:$0x2] =	stream.indirect_vreg.gather [hbm4b:s3+s4], $0x80, v4, vm0, $0xb8;
	[tilespmem:$0xC400] =	vst v63  }
0x277: {  	_ = 	snop  }
0x278: {  	[tilespmem:s12], [sflag:$0x2] =	stream.indirect_vreg.gather [hbm4b:s3+s4], $0x80, v3, vm0, $0xb8;
	[tilespmem:$0xC400] =	vst v63  }
0x279: {  	v3 =	vld [tilespmem:$0x320];
	_ =	sdelay $0x4  }
0x27a: {  	v50 =	vshll.u32 v3, $0x1  }
0x27b: {  	v3 =	vand.u32 $0x7, v3;
	v4 =	vand.u32 $0xFFFFFFF0, v50  }
0x27c: {  	v3 =	vor.u32 v3, v4  }
0x27d: {  	v4 =	vperm.xlane v3, v0;
	_ =	sdelay $0x1  }
0x27e: {  	v3 =	vperm.xlane v3, v2;
	v4 =	vadd.s32 v1, v4;
	_ =	sdelay $0x1  }
0x27f: {  	v3 =	vadd.s32 v1, v3;
	_ =	sdelay $0x2  }
0x280: {  	[tilespmem:s13], [sflag:$0x2] =	stream.indirect_vreg.gather [hbm4b:s3+s4], $0x80, v4, vm0, $0xb8;
	[tilespmem:$0xC400] =	vst v63  }
0x281: {  	_ = 	snop  }
0x282: {  	[tilespmem:s14], [sflag:$0x2] =	stream.indirect_vreg.gather [hbm4b:s3+s4], $0x80, v3, vm0, $0xb8;
	[tilespmem:$0xC400] =	vst v63  }
0x283: {  	v3 =	vld [tilespmem:$0x330];
	_ =	sdelay $0x4  }
0x284: {  	v51 =	vshll.u32 v3, $0x1  }
0x285: {  	v3 =	vand.u32 $0x7, v3;
	v4 =	vand.u32 $0xFFFFFFF0, v51  }
0x286: {  	v3 =	vor.u32 v3, v4  }
0x287: {  	v4 =	vperm.xlane v3, v0;
	_ =	sdelay $0x1  }
0x288: {  	v3 =	vperm.xlane v3, v2;
	v4 =	vadd.s32 v1, v4;
	_ =	sdelay $0x1  }
0x289: {  	v3 =	vadd.s32 v1, v3;
	_ =	sdelay $0x2  }
0x28a: {  	[tilespmem:s15], [sflag:$0x2] =	stream.indirect_vreg.gather [hbm4b:s3+s4], $0x80, v4, vm0, $0xb8;
	[tilespmem:$0xC400] =	vst v63  }
0x28b: {  	_ = 	snop  }
0x28c: {  	[tilespmem:s16], [sflag:$0x2] =	stream.indirect_vreg.gather [hbm4b:s3+s4], $0x80, v3, vm0, $0xb8;
	[tilespmem:$0xC400] =	vst v63  }
0x28d: {  	v3 =	vld [tilespmem:$0x340];
	_ =	sdelay $0x4  }
0x28e: {  	v52 =	vshll.u32 v3, $0x1  }
0x28f: {  	v3 =	vand.u32 $0x7, v3;
	v4 =	vand.u32 $0xFFFFFFF0, v52  }
0x290: {  	v3 =	vor.u32 v3, v4  }
0x291: {  	v4 =	vperm.xlane v3, v0;
	_ =	sdelay $0x1  }
0x292: {  	v3 =	vperm.xlane v3, v2;
	v4 =	vadd.s32 v1, v4;
	_ =	sdelay $0x1  }
0x293: {  	v3 =	vadd.s32 v1, v3;
	_ =	sdelay $0x2  }
0x294: {  	[tilespmem:s17], [sflag:$0x2] =	stream.indirect_vreg.gather [hbm4b:s3+s4], $0x80, v4, vm0, $0xb8;
	[tilespmem:$0xC400] =	vst v63  }
0x295: {  	_ = 	snop  }
0x296: {  	[tilespmem:s18], [sflag:$0x2] =	stream.indirect_vreg.gather [hbm4b:s3+s4], $0x80, v3, vm0, $0xb8;
	[tilespmem:$0xC400] =	vst v63  }
0x297: {  	v3 =	vld [tilespmem:$0x350];
	_ =	sdelay $0x4  }
0x298: {  	v53 =	vshll.u32 v3, $0x1  }
0x299: {  	v3 =	vand.u32 $0x7, v3;
	v4 =	vand.u32 $0xFFFFFFF0, v53  }
0x29a: {  	v3 =	vor.u32 v3, v4  }
0x29b: {  	v4 =	vperm.xlane v3, v0;
	_ =	sdelay $0x1  }
0x29c: {  	v3 =	vperm.xlane v3, v2;
	v4 =	vadd.s32 v1, v4;
	_ =	sdelay $0x1  }
0x29d: {  	v3 =	vadd.s32 v1, v3;
	_ =	sdelay $0x2  }
0x29e: {  	[tilespmem:s19], [sflag:$0x2] =	stream.indirect_vreg.gather [hbm4b:s3+s4], $0x80, v4, vm0, $0xb8;
	[tilespmem:$0xC400] =	vst v63  }
0x29f: {  	_ = 	snop  }
0x2a0: {  	[tilespmem:s20], [sflag:$0x2] =	stream.indirect_vreg.gather [hbm4b:s3+s4], $0x80, v3, vm0, $0xb8;
	[tilespmem:$0xC400] =	vst v63  }
0x2a1: {  	v3 =	vld [tilespmem:$0x360];
	_ =	sdelay $0x4  }
0x2a2: {  	v54 =	vshll.u32 v3, $0x1  }
0x2a3: {  	v3 =	vand.u32 $0x7, v3;
	v4 =	vand.u32 $0xFFFFFFF0, v54  }
0x2a4: {  	v3 =	vor.u32 v3, v4  }
0x2a5: {  	v4 =	vperm.xlane v3, v0;
	_ =	sdelay $0x1  }
0x2a6: {  	v3 =	vperm.xlane v3, v2;
	v4 =	vadd.s32 v1, v4;
	_ =	sdelay $0x1  }
0x2a7: {  	v3 =	vadd.s32 v1, v3;
	_ =	sdelay $0x2  }
0x2a8: {  	[tilespmem:s21], [sflag:$0x2] =	stream.indirect_vreg.gather [hbm4b:s3+s4], $0x80, v4, vm0, $0xb8;
	[tilespmem:$0xC400] =	vst v63  }
0x2a9: {  	_ = 	snop  }
0x2aa: {  	[tilespmem:s22], [sflag:$0x2] =	stream.indirect_vreg.gather [hbm4b:s3+s4], $0x80, v3, vm0, $0xb8;
	[tilespmem:$0xC400] =	vst v63  }
0x2ab: {  	v3 =	vld [tilespmem:$0x370];
	_ =	sdelay $0x4  }
0x2ac: {  	v55 =	vshll.u32 v3, $0x1  }
0x2ad: {  	v3 =	vand.u32 $0x7, v3;
	v4 =	vand.u32 $0xFFFFFFF0, v55  }
0x2ae: {  	v3 =	vor.u32 v3, v4  }
0x2af: {  	v4 =	vperm.xlane v3, v0;
	_ =	sdelay $0x1  }
0x2b0: {  	v3 =	vperm.xlane v3, v2;
	v4 =	vadd.s32 v1, v4;
	_ =	sdelay $0x1  }
0x2b1: {  	v3 =	vadd.s32 v1, v3;
	_ =	sdelay $0x2  }
0x2b2: {  	[tilespmem:s23], [sflag:$0x2] =	stream.indirect_vreg.gather [hbm4b:s3+s4], $0x80, v4, vm0, $0xb8;
	[tilespmem:$0xC400] =	vst v63  }
0x2b3: {  	_ = 	snop  }
0x2b4: {  	[tilespmem:s24], [sflag:$0x2] =	stream.indirect_vreg.gather [hbm4b:s3+s4], $0x80, v3, vm0, $0xb8;
	[tilespmem:$0xC400] =	vst v63  }
0x2b5: {  	_ =	swait.ge [sflag:s25], $0x4000  }
0x2b6: {  	[sflag:s25] =	ssyncset.done $0x0  }
0x2b7: {  	[sflag:s25] =	ssyncadd.s32 $0xFFFFC000  }
0x2b8: {  	_ =	swait.ge [sflag:s26], $0x8000  }
0x2b9: {  	[sflag:s26] =	ssyncset.done $0x0  }
0x2ba: {  	s0 =	rddreg [dreg:$0x11];
	[sflag:s26] =	ssyncadd.s32 $0xFFFF8000  }
0x2bb: {  	[hbm4b:s0+s4] =	stream.linear.scatter [tilespmem:s8], [sflag:$0x3], $0x4000, $0x38;
	[tilespmem:$0xC400] =	vst v63  }
0x2bc: {  	_ =	swait.ge [sflag:s6], $0x4000  }
0x2bd: {  	[sflag:s6] =	ssyncset.done $0x0  }
0x2be: {  	s0 =	rddreg [dreg:$0x12];
	[sflag:s6] =	ssyncadd.s32 $0xFFFFC000  }
0x2bf: {  	[hbm4b:s0+s4] =	stream.linear.scatter [tilespmem:s9], [sflag:$0x3], $0x8000, $0x38;
	[tilespmem:$0xC400] =	vst v63  }
0x2c0: {  	_ =	swait.ge [sflag:s6], $0x8000  }
0x2c1: {  	[sflag:s6] =	ssyncset.done $0x0  }
0x2c2: {  	[sflag:s6] =	ssyncadd.s32 $0xFFFF8000  }
0x2c3: {  	[tilespmem:s8], [sflag:$0x1] =	stream.indirect.gather [hbm4b:s1+s7], $0x80, s2, s7, $0xb8;
	[tilespmem:$0xC400] =	vst v63  }
0x2c4: {  	v3 =	vld [tilespmem:$0x380];
	_ =	sdelay $0x4  }
0x2c5: {  	v56 =	vshll.u32 v3, $0x1  }
0x2c6: {  	v3 =	vand.u32 $0x7, v3;
	v4 =	vand.u32 $0xFFFFFFF0, v56  }
0x2c7: {  	v3 =	vor.u32 v3, v4  }
0x2c8: {  	v4 =	vperm.xlane v3, v0;
	_ =	sdelay $0x1  }
0x2c9: {  	v3 =	vperm.xlane v3, v2;
	v4 =	vadd.s32 v1, v4;
	_ =	sdelay $0x1  }
0x2ca: {  	v3 =	vadd.s32 v1, v3;
	_ =	sdelay $0x2  }
0x2cb: {  	[tilespmem:s9], [sflag:$0x2] =	stream.indirect_vreg.gather [hbm4b:s3+s4], $0x80, v4, vm0, $0xb8;
	[tilespmem:$0xC400] =	vst v63  }
0x2cc: {  	_ = 	snop  }
0x2cd: {  	[tilespmem:s10], [sflag:$0x2] =	stream.indirect_vreg.gather [hbm4b:s3+s4], $0x80, v3, vm0, $0xb8;
	[tilespmem:$0xC400] =	vst v63  }
0x2ce: {  	v3 =	vld [tilespmem:$0x390];
	_ =	sdelay $0x4  }
0x2cf: {  	v57 =	vshll.u32 v3, $0x1  }
0x2d0: {  	v3 =	vand.u32 $0x7, v3;
	v4 =	vand.u32 $0xFFFFFFF0, v57  }
0x2d1: {  	v3 =	vor.u32 v3, v4  }
0x2d2: {  	v4 =	vperm.xlane v3, v0;
	_ =	sdelay $0x1  }
0x2d3: {  	v3 =	vperm.xlane v3, v2;
	v4 =	vadd.s32 v1, v4;
	_ =	sdelay $0x1  }
0x2d4: {  	v3 =	vadd.s32 v1, v3;
	_ =	sdelay $0x2  }
0x2d5: {  	[tilespmem:s11], [sflag:$0x2] =	stream.indirect_vreg.gather [hbm4b:s3+s4], $0x80, v4, vm0, $0xb8;
	[tilespmem:$0xC400] =	vst v63  }
0x2d6: {  	_ = 	snop  }
0x2d7: {  	[tilespmem:s12], [sflag:$0x2] =	stream.indirect_vreg.gather [hbm4b:s3+s4], $0x80, v3, vm0, $0xb8;
	[tilespmem:$0xC400] =	vst v63  }
0x2d8: {  	v3 =	vld [tilespmem:$0x3A0];
	_ =	sdelay $0x4  }
0x2d9: {  	v58 =	vshll.u32 v3, $0x1  }
0x2da: {  	v3 =	vand.u32 $0x7, v3;
	v4 =	vand.u32 $0xFFFFFFF0, v58  }
0x2db: {  	v3 =	vor.u32 v3, v4  }
0x2dc: {  	v4 =	vperm.xlane v3, v0;
	_ =	sdelay $0x1  }
0x2dd: {  	v3 =	vperm.xlane v3, v2;
	v4 =	vadd.s32 v1, v4;
	_ =	sdelay $0x1  }
0x2de: {  	v3 =	vadd.s32 v1, v3;
	_ =	sdelay $0x2  }
0x2df: {  	[tilespmem:s13], [sflag:$0x2] =	stream.indirect_vreg.gather [hbm4b:s3+s4], $0x80, v4, vm0, $0xb8;
	[tilespmem:$0xC400] =	vst v63  }
0x2e0: {  	_ = 	snop  }
0x2e1: {  	[tilespmem:s14], [sflag:$0x2] =	stream.indirect_vreg.gather [hbm4b:s3+s4], $0x80, v3, vm0, $0xb8;
	[tilespmem:$0xC400] =	vst v63  }
0x2e2: {  	v3 =	vld [tilespmem:$0x3B0];
	_ =	sdelay $0x4  }
0x2e3: {  	v59 =	vshll.u32 v3, $0x1  }
0x2e4: {  	v3 =	vand.u32 $0x7, v3;
	v4 =	vand.u32 $0xFFFFFFF0, v59  }
0x2e5: {  	v3 =	vor.u32 v3, v4  }
0x2e6: {  	v4 =	vperm.xlane v3, v0;
	_ =	sdelay $0x1  }
0x2e7: {  	v3 =	vperm.xlane v3, v2;
	v4 =	vadd.s32 v1, v4;
	_ =	sdelay $0x1  }
0x2e8: {  	v3 =	vadd.s32 v1, v3;
	_ =	sdelay $0x2  }
0x2e9: {  	[tilespmem:s15], [sflag:$0x2] =	stream.indirect_vreg.gather [hbm4b:s3+s4], $0x80, v4, vm0, $0xb8;
	[tilespmem:$0xC400] =	vst v63  }
0x2ea: {  	_ = 	snop  }
0x2eb: {  	[tilespmem:s16], [sflag:$0x2] =	stream.indirect_vreg.gather [hbm4b:s3+s4], $0x80, v3, vm0, $0xb8;
	[tilespmem:$0xC400] =	vst v63  }
0x2ec: {  	v3 =	vld [tilespmem:$0x3C0];
	_ =	sdelay $0x4  }
0x2ed: {  	v60 =	vshll.u32 v3, $0x1  }
0x2ee: {  	v3 =	vand.u32 $0x7, v3;
	v4 =	vand.u32 $0xFFFFFFF0, v60  }
0x2ef: {  	v3 =	vor.u32 v3, v4  }
0x2f0: {  	v4 =	vperm.xlane v3, v0;
	_ =	sdelay $0x1  }
0x2f1: {  	v3 =	vperm.xlane v3, v2;
	v4 =	vadd.s32 v1, v4;
	_ =	sdelay $0x1  }
0x2f2: {  	v3 =	vadd.s32 v1, v3;
	_ =	sdelay $0x2  }
0x2f3: {  	[tilespmem:s17], [sflag:$0x2] =	stream.indirect_vreg.gather [hbm4b:s3+s4], $0x80, v4, vm0, $0xb8;
	[tilespmem:$0xC400] =	vst v63  }
0x2f4: {  	_ = 	snop  }
0x2f5: {  	[tilespmem:s18], [sflag:$0x2] =	stream.indirect_vreg.gather [hbm4b:s3+s4], $0x80, v3, vm0, $0xb8;
	[tilespmem:$0xC400] =	vst v63  }
0x2f6: {  	v3 =	vld [tilespmem:$0x3D0];
	_ =	sdelay $0x4  }
0x2f7: {  	v61 =	vshll.u32 v3, $0x1  }
0x2f8: {  	v3 =	vand.u32 $0x7, v3;
	v4 =	vand.u32 $0xFFFFFFF0, v61  }
0x2f9: {  	v3 =	vor.u32 v3, v4  }
0x2fa: {  	v4 =	vperm.xlane v3, v0;
	_ =	sdelay $0x1  }
0x2fb: {  	v3 =	vperm.xlane v3, v2;
	v4 =	vadd.s32 v1, v4;
	_ =	sdelay $0x1  }
0x2fc: {  	v3 =	vadd.s32 v1, v3;
	_ =	sdelay $0x2  }
0x2fd: {  	[tilespmem:s19], [sflag:$0x2] =	stream.indirect_vreg.gather [hbm4b:s3+s4], $0x80, v4, vm0, $0xb8;
	[tilespmem:$0xC400] =	vst v63  }
0x2fe: {  	_ = 	snop  }
0x2ff: {  	[tilespmem:s20], [sflag:$0x2] =	stream.indirect_vreg.gather [hbm4b:s3+s4], $0x80, v3, vm0, $0xb8;
	[tilespmem:$0xC400] =	vst v63  }
0x300: {  	v3 =	vld [tilespmem:$0x3E0];
	_ =	sdelay $0x4  }
0x301: {  	v62 =	vshll.u32 v3, $0x1  }
0x302: {  	v3 =	vand.u32 $0x7, v3;
	v4 =	vand.u32 $0xFFFFFFF0, v62  }
0x303: {  	v3 =	vor.u32 v3, v4  }
0x304: {  	v4 =	vperm.xlane v3, v0;
	_ =	sdelay $0x1  }
0x305: {  	v3 =	vperm.xlane v3, v2;
	v4 =	vadd.s32 v1, v4;
	_ =	sdelay $0x1  }
0x306: {  	v3 =	vadd.s32 v1, v3;
	_ =	sdelay $0x2  }
0x307: {  	[tilespmem:s21], [sflag:$0x2] =	stream.indirect_vreg.gather [hbm4b:s3+s4], $0x80, v4, vm0, $0xb8;
	[tilespmem:$0xC400] =	vst v63  }
0x308: {  	_ = 	snop  }
0x309: {  	[tilespmem:s22], [sflag:$0x2] =	stream.indirect_vreg.gather [hbm4b:s3+s4], $0x80, v3, vm0, $0xb8;
	[tilespmem:$0xC400] =	vst v63  }
0x30a: {  	v3 =	vld [tilespmem:$0x3F0];
	_ =	sdelay $0x4  }
0x30b: {  	v63 =	vshll.u32 v3, $0x1  }
0x30c: {  	v3 =	vand.u32 $0x7, v3;
	v4 =	vand.u32 $0xFFFFFFF0, v63  }
0x30d: {  	v3 =	vor.u32 v3, v4  }
0x30e: {  	v4 =	vperm.xlane v3, v0;
	_ =	sdelay $0x1  }
0x30f: {  	v3 =	vperm.xlane v3, v2;
	v4 =	vadd.s32 v1, v4;
	_ =	sdelay $0x1  }
0x310: {  	v3 =	vadd.s32 v1, v3;
	_ =	sdelay $0x2  }
0x311: {  	[tilespmem:s23], [sflag:$0x2] =	stream.indirect_vreg.gather [hbm4b:s3+s4], $0x80, v4, vm0, $0xb8;
	[tilespmem:$0xC400] =	vst v63  }
0x312: {  	_ = 	snop  }
0x313: {  	[tilespmem:s24], [sflag:$0x2] =	stream.indirect_vreg.gather [hbm4b:s3+s4], $0x80, v3, vm0, $0xb8;
	[tilespmem:$0xC400] =	vst v63  }
0x314: {  	_ =	swait.ge [sflag:s25], $0x4000  }
0x315: {  	[sflag:s25] =	ssyncset.done $0x0  }
0x316: {  	[sflag:s25] =	ssyncadd.s32 $0xFFFFC000  }
0x317: {  	_ =	swait.ge [sflag:s26], $0x8000  }
0x318: {  	[sflag:s26] =	ssyncset.done $0x0  }
0x319: {  	s0 =	rddreg [dreg:$0x13];
	[sflag:s26] =	ssyncadd.s32 $0xFFFF8000  }
0x31a: {  	[hbm4b:s0+s4] =	stream.linear.scatter [tilespmem:s8], [sflag:$0x3], $0x4000, $0x38;
	[tilespmem:$0xC400] =	vst v63  }
0x31b: {  	_ =	swait.ge [sflag:s6], $0x4000  }
0x31c: {  	p0 =	sne.s32 s5, $0x1;
	[sflag:s6] =	ssyncset.done $0x0  }
.Ltmp0:
0x31d: {  	s0 =	rddreg [dreg:$0x14];
	[sflag:s6] =	ssyncadd.s32 $0xFFFFC000;
	(pc) =	sbr.rel @p0 .LBB2_1-.Ltmp0, $4  }
0x31e: {  	[hbm4b:s0+s4] =	stream.linear.scatter [tilespmem:s9], [sflag:$0x3], $0x8000, $0x38;
	[tilespmem:$0xC400] =	vst v63  }
0x31f: {  	_ =	swait.ge [sflag:s6], $0x8000  }
0x320: {  	[sflag:s6] =	ssyncset.done $0x0  }
0x321: {  	s5 =	sadd.s32 $0xFFFFFFFF, s5;
	[sflag:s6] =	ssyncadd.s32 $0xFFFF8000  }
0x322: {  	_ =	sfence.sel $0x180000  }
0x323: {  	[bflag:$0x0] =	sbarrier.arrive $0xFFFF  }
0x324: {  	_ =	strace $0x9000004A  }
0x325: {  	s0 =	stileid.u32;
	[bflag:$0x2] =	sbarrier.arrive $0xFFFF  }
0x326: {  	p0 =	sne.s32 s0, $0x0;
	s0 =	rddreg [dreg:$0x3]  }
0x327: {  	s0 =	sadd.s32 @!p0 $0x100000, s0  }
0x328: {  	[sflag:s0] =	ssyncadd.tile.s32 @!p0 $0x1;
	_ =	shalt  }
.Lfunc_end2:
_tile_overlayer_lowered:
.L_overlay_start_2:
0x329: {  	(tag) =	ssettag $0x2  }
0x32a: {  	s0 =	rddreg [dreg:$0x0];
	s2 =	stileid.u32  }
0x32b: {  	s1 =	rddreg [dreg:$0x1];
	p0 =	sne.s32 s2, $0x0  }
0x32c: {  	s3 =	rddreg [dreg:$0x2];
	[bflag:$0x3] =	sbarrier.arrive $0xFFFF;
	s2 =	simm.s32 @!p0 $0x1C03  }
0x32d: {  	[timem:s3], [sflag:s2] =	dma.local @!p0 [hbm:s0], s1  }
0x32e: {  	s0 =	simm.s32 @!p0 $0x3  }
0x32f: {  	_ =	swait.ge @!p0 [sflag:s0], s1  }
0x330: {  	s1 =	ssub.s32 @!p0 $0x0, s1;
	[sflag:s0] =	ssyncset.done @!p0 $0x0  }
0x331: {  	[sflag:s0] =	ssyncadd.s32 @!p0 s1  }
0x332: {  	[bflag:$0x3] =	sbarrier.arrive $0xFFFF  }
0x333: {  	_ =	shalt  }

// kernel: sparse-core-data-format-call.cloned.1.call-start
scs
called_computation_lowered:
.L_overlay_start_0:
0x0: {  	s2 =	sld [smem:$0x3FD9]  }
0x1: {  	s3 =	sld [smem:$0x3FFE];
	_ =	sdelay $0x1  }
0x2: {  	s1 =	srdreg.scid  }
0x3: {  	s0 =	sand.u32 $0x1, s1  }
0x4: {  	s19 =	sshll.u32 s0, $0xA;
	s2 =	sadd.s32 s3, s2  }
0x5: {  	s2 =	sadd.s32 s2, s19  }
0x6: {  	[smem:$0x3FC1] =	sst s2  }
0x7: {  	_ = 	snop  }
0x8: {  	s2 =	sld [smem:$0x3FC7]  }
0x9: {  	s20 =	sld [smem:$0x3FD0];
	(tm) =	ssettm $0x1  }
0xa: {  	s4 =	sld [smem:$0x3FFB];
	_ =	sdelay $0x3  }
0xb: {  	_ =	strace s4  }
0xc: {  	s4 =	sld [smem:$0x3FFC];
	_ =	sdelay $0x3  }
0xd: {  	_ =	strace s4  }
0xe: {  	s4 =	sld [smem:$0x3FFD];
	_ =	sdelay $0x3  }
0xf: {  	_ =	strace s4  }
0x10: {  	_ =	strace $0x8FFFFFFF  }
0x11: {  	s21 =	sld [smem:$0x3FDB];
	_ =	sdelay $0x1  }
0x12: {  	s5 =	simm.s32 $_scs_section_size  }
0x13: {  	s6 =	simm.s32 $_size__tile_overlayer_lowered;
	s7 =	simm.s32 $_tile_overlayer_lowered  }
0x14: {  	s24 =	simm.s32 $0x1BFF;
	s23 =	sshll.u32 s7, $0x1;
	s4 =	sadd.s32 s5, s21  }
0x15: {  	s8 =	simm.s32 $0x0;
	s22 =	sshll.u32 s6, $0x1;
	s6 =	sadd.s32 s23, s4  }
0x16: {  	[timem:s8], [sflag:s24] =	dma.local [hbm:s6], s22  }
0x17: {  	_ =	swait.ge [sflag:s24], s22  }
0x18: {  	s5 =	ssub.s32 $0x0, s22;
	[sflag:s24] =	ssyncset.done $0x0  }
0x19: {  	[sflag:s24] =	ssyncadd.s32 s5;
	_ =	sdelay $0x1  }
0x1a: {  	s25 =	simm.s32 $0x1B8B  }
0x1b: {  	_ =	swait.ge [sflag:s25], $0x1  }
0x1c: {  	[sflag:s25] =	ssyncset.done $0x0  }
0x1d: {  	s26 =	simm.s32 $0x1B8E;
	[sflag:s25] =	ssyncadd.s32 $0xFFFFFFFF  }
0x1e: {  	s27 =	simm.s32 $execute0_lowered;
	[smem:$0x3FD2] =	sst s26  }
0x1f: {  	s5 =	sshll.u32 s27, $0x1;
	_ =	strace $0x80000046;
	[dreg:$0x1] =	wrdreg $0xFFFFFFFF  }
0x20: {  	s28 =	simm.s32 $_size_execute0_lowered;
	s4 =	sadd.s32 s4, s5;
	[dreg:$0x0] =	wrdreg $0x0  }
0x21: {  	s5 =	sshll.u32 s28, $0x1;
	[dreg:$0x2] =	wrdreg s4  }
0x22: {  	[dreg:$0x3] =	wrdreg s5  }
0x23: {  	[dreg:$0x4] =	wrdreg $0xC0  }
0x24: {  	_ =	task [dreg:s8], $0x5FFFF  }
0x25: {  	[dreg:$0x1] =	wrdreg $0xFFFFFFFF  }
0x26: {  	[dreg:$0x0] =	wrdreg $0x60  }
0x27: {  	[dreg:$0x2] =	wrdreg s2  }
0x28: {  	[dreg:$0x3] =	wrdreg s20  }
0x29: {  	[dreg:$0x4] =	wrdreg $0x9  }
0x2a: {  	_ =	task.clear_ibuf [dreg:s8], $0x5FFFF;
	_ =	strace $0x90000046  }
0x2b: {  	s29 =	simm.s32 $0x9;
	_ =	strace $0x80000048  }
0x2c: {  	_ =	swait.ge [sflag:s29], $0x1  }
0x2d: {  	[sflag:s29] =	ssyncadd.s32 $0xFFFFFFFF  }
0x2e: {  	_ =	strace $0x90000048  }
0x2f: {  	_ =	sfence  }
0x30: {  	s30 =	sld [smem:$0x0];
	_ =	sdelay $0x2  }
0x31: {  	s31 =	sshll.u32 s1, $0xD;
	s1 =	sshrl.u32 s1, $0x2  }
0x32: {  	s3 =	sand.u32 $0x4000, s31;
	s1 =	sadd.s32 s1, s30  }
0x33: {  	s0 =	sor.u32 s3, s0;
	s1 =	sshll.u32 s1, $0x11  }
0x34: {  	s0 =	sor.u32 s1, s0  }
0x35: {  	s0 =	sadd.s32 $0x8F2B, s0  }
0x36: {  	[sflag:s0] =	ssyncadd.remote.s32 $0x1  }
0x37: {  	_ =	sfence.sel $0xFFFF  }
0x38: {  	[dreg:$0x0] =	wrdreg $0xFFFFFFFF;
	(pc) =	sbr.abs _section_cstart, $3  }
0x39: {  	[dreg:$0x1] =	wrdreg $0xFFFFFFFF  }
0x3a: {  	_ =	task.clear_ibuf [dreg:s8], $0x2FFFF;
	_ =	strace $0x9FFFFFFF  }
0x3b: {  	(tm) =	ssettm $0x7FFFFFFF  }
tec
execute0_lowered:
.L_overlay_start_1:
0x0: {  	(tag) =	ssettag $0x1  }
0x1: {  	s0 =	srdreg.scid  }
0x2: {  	s1 =	sshll.u32 s0, $0x4  }
0x3: {  	s2 =	rddreg [dreg:$0x0];
	s0 =	stileid.u32;
	s1 =	sand.u32 $0x10, s1  }
0x4: {  	s4 =	rddreg [dreg:$0x1];
	s1 =	sor.u32 s0, s1  }
0x5: {  	s7 =	simm.s32 $0x1;
	s8 =	simm.s32 $0x2;
	s3 =	sshll.u32 s1, $0x6  }
0x6: {  	s9 =	simm.s32 $0x0;
	s12 =	simm.s32 $0x0;
	s6 =	ssub.s32 $0x10000, s3  }
.Ltmp0:
0x7: {  	s11 =	simm.s32 $0x0;
	s5 =	sand.u32 $0x7C0, s6;
	(pc) =	sbr.rel .LBB1_1-.Ltmp0, $4  }
0x8: {  	s1 =	rddreg [dreg:$0x2];
	_ =	strace $0x80000047;
	p0 =	sne.s32 s5, $0x0  }
0x9: {  	s6 =	sshrl.u32 s6, $0xB;
	s5 =	simm.s32 $0x1;
	s7 =	simm.s32 @!p0 $0x0  }
0xa: {  	s10 =	smov.u32 s3;
	[sflag:s5] =	ssyncpa.u1 $0x0;
	s6 =	sadd.s32 s7, s6  }
0xb: {  	[sflag:s8] =	ssyncpa.u1 $0x0;
	s8 =	simm.s32 $0x0;
	s7 =	sadd.s32 $0x1, s6  }
.LBB1_4:
0xc: {  	_ =	sdelay $0x3  }
0xd: {  	[tilespmem:v0+s14+$0x420 ss:$0x1] =	vst.idx.msk $0xffff, v4  }
0xe: {  	[tilespmem:v0+s14+$0x430 ss:$0x1] =	vst.idx.msk $0xffff, v7  }
0xf: {  	[tilespmem:v0+s14+$0x440 ss:$0x1] =	vst.idx.msk $0xffff, v3;
	v57 =	vld [tilespmem:s15+$0x10]  }
0x10: {  	s16 =	sadd.s32 $0x80, s16;
	[tilespmem:s17+$0x0] =	vst v5;
	v58 =	vld [tilespmem:s15+$0x20]  }
0x11: {  	s18 =	sand.u32 $0x3800, s19;
	[tilespmem:v0+s14+$0x450 ss:$0x1] =	vst.idx.msk $0xffff, v2;
	v59 =	vld [tilespmem:s15+$0x30];
	s28 =	sand.u32 $0x380, s16  }
0x12: {  	[tilespmem:v0+s14+$0x460 ss:$0x1] =	vst.idx.msk $0xffff, v1;
	v60 =	vld [tilespmem:s15+$0x40];
	s18 =	sor.u32 s28, s18  }
0x13: {  	v62 =	vld [tilespmem:s15+$0x50];
	[tilespmem:v0+s18+$0x470 ss:$0x1] =	vst.idx.msk $0xffff, v6  }
0x14: {  	v63 =	vld [tilespmem:s15+$0x60];
	[tilespmem:v0+s18+$0x410 ss:$0x1] =	vst.idx.msk $0xffff, v57  }
0x15: {  	v49 =	vld [tilespmem:s15+$0xFFFFFF90];
	[tilespmem:v0+s18+$0x420 ss:$0x1] =	vst.idx.msk $0xffff, v58  }
0x16: {  	v50 =	vld [tilespmem:s15+$0xFFFFFFA0];
	[tilespmem:v0+s18+$0x430 ss:$0x1] =	vst.idx.msk $0xffff, v59  }
0x17: {  	v51 =	vld [tilespmem:s15+$0xFFFFFFB0];
	s29 =	sand.u32 $0x3B00, s18;
	[tilespmem:v0+s18+$0x440 ss:$0x1] =	vst.idx.msk $0xffff, v60  }
0x18: {  	v52 =	vld [tilespmem:s15+$0xFFFFFFC0];
	s16 =	sand.u32 $0x80, s16;
	s17 =	sadd.s32 s29, s13;
	[tilespmem:v0+s18+$0x450 ss:$0x1] =	vst.idx.msk $0xffff, v62  }
0x19: {  	v53 =	vld [tilespmem:s15+$0xFFFFFFD0];
	s16 =	sadd.s32 s16, s17;
	[tilespmem:v0+s18+$0x460 ss:$0x1] =	vst.idx.msk $0xffff, v63  }
0x1a: {  	v54 =	vld [tilespmem:s15+$0xFFFFFFE0];
	[tilespmem:s16+$0x10] =	vst v49  }
0x1b: {  	v55 =	vld [tilespmem:s15+$0xFFFFFFF0];
	[tilespmem:s16+$0x20] =	vst v50  }
0x1c: {  	v56 =	vld [tilespmem:s15+$0x0];
	[tilespmem:s16+$0x30] =	vst v51  }
0x1d: {  	v61 =	vld [tilespmem:s15+$0xFFFFFF80];
	[tilespmem:s16+$0x40] =	vst v52  }
0x1e: {  	s30 =	sshll.u32 s12, $0x8;
	s31 =	sshll.u32 s12, $0x7;
	[tilespmem:s16+$0x50] =	vst v53  }
0x1f: {  	s14 =	sand.u32 $0xFFF800, s30;
	s12 =	sand.u32 $0x380, s31;
	[tilespmem:s16+$0x60] =	vst v54  }
0x20: {  	s12 =	sor.u32 s12, s14;
	[tilespmem:s16+$0x70] =	vst v55  }
0x21: {  	s12 =	sshrl.u32 s12, $0x3;
	[tilespmem:s16+$0x400] =	vst v56  }
0x22: {  	s12 =	sadd.s32 s4, s12;
	[tilespmem:s16+$0x0] =	vst v61  }
0x23: {  	[hbm4b:s12+s8] =	stream.linear.scatter [tilespmem:s13], [sflag:$0x2], $0x4000, $0x38;
	[tilespmem:$0x10000] =	vst v63  }
.LBB1_5:
0x24: {  	s14 =	sadd.s32 $0x800, s10  }
0x25: {  	p1 =	sgt.s32 s14, $0xFFFF  }
0x26: {  	s14 =	smov.u32 @p1 s3;
	p1 =	sne.s32 s11, s7  }
.Ltmp1:
0x27: {  	p0 =	slt.u32 s11, $0x2;
	(pc) =	sbr.rel @!p1 .LBB1_6-.Ltmp1, $4  }
0x28: {  	s13 =	simm.s32 @!p0 $0x2  }
0x29: {  	s15 =	sadd.s32 $0x1, s11;
	_ =	swait.ge @!p0 [sflag:s13], $0x4000  }
0x2a: {  	s12 =	smov.u32 s10;
	s9 =	sadd.s32 $0x4000, s9;
	[sflag:s13] =	ssyncset.done @!p0 $0x0  }
0x2b: {  	s11 =	smov.u32 s15;
	s10 =	smov.u32 s14;
	[sflag:s13] =	ssyncadd.s32 @!p0 $0xFFFFC000  }
.LBB1_1:
0x2c: {  	p0 =	sge.u32 s11, s6  }
0x2d: {  	s13 =	sxor.u32 @!p0 $0xFFFFFFFF, s11  }
0x2e: {  	s31 =	sadd.s32 $0xFFFFFFFF, s11;
	s14 =	sshll.u32 @!p0 s10, $0x5;
	s13 =	sshll.u32 @!p0 s13, $0xE  }
0x2f: {  	s15 =	simm.s32 @!p0 $0x0;
	s14 =	sadd.s32 @!p0 s2, s14;
	s13 =	sand.u32 @!p0 $0x4000, s13  }
0x30: {  	[tilespmem:s13], [sflag:$0x1] =	stream.linear.gather @!p0 [hbm4b:s14+s15], $0x4000, $0x38;
	[tilespmem:$0x10000] =	vst v63  }
0x31: {  	p0 =	sge.u32 s31, s6  }
.Ltmp2:
0x32: {  	_ = 	snop;
	(pc) =	sbr.rel @p0 .LBB1_5-.Ltmp2, $1  }
0x33: {  	_ =	sdelay $0x3  }
0x34: {  	_ =	swait.ge [sflag:s5], $0x4000  }
0x35: {  	s13 =	sand.u32 $0x4000, s9;
	[sflag:s5] =	ssyncset.done $0x0  }
0x36: {  	s31 =	sshll.u32 s11, $0xE;
	s15 =	sor.u32 $0x80, s13;
	[sflag:s5] =	ssyncadd.s32 $0xFFFFC000  }
0x37: {  	s13 =	sand.u32 $0x4000, s31;
	v1 =	vld [tilespmem:s15+$0x70]  }
0x38: {  	s13 =	sor.u32 $0x8000, s13;
	v2 =	vld [tilespmem:s15+$0xFFFFFF90]  }
0x39: {  	s16 =	simm.s32 $0x0;
	v0 =	vmov s13;
	v3 =	vld [tilespmem:s15+$0xFFFFFFA0]  }
0x3a: {  	s14 =	sand.u32 $0x3800, s16;
	s17 =	sand.u32 $0x380, s16;
	v4 =	vld [tilespmem:s15+$0xFFFFFFB0]  }
0x3b: {  	s14 =	sor.u32 s17, s14;
	v5 =	vld [tilespmem:s15+$0xFFFFFFC0]  }
0x3c: {  	s17 =	sand.u32 $0x3B00, s14;
	v6 =	vld [tilespmem:s15+$0xFFFFFFD0]  }
0x3d: {  	s18 =	sand.u32 $0x80, s16;
	v8 =	vld [tilespmem:s15+$0xFFFFFFE0];
	s17 =	sadd.s32 s17, s13  }
0x3e: {  	v9 =	vld [tilespmem:s15+$0x0];
	s17 =	sadd.s32 s18, s17;
	[tilespmem:v0+s14+$0x470 ss:$0x1] =	vst.idx.msk $0xffff, v1  }
0x3f: {  	v10 =	vld [tilespmem:s15+$0x10];
	[tilespmem:s17+$0x10] =	vst v2  }
0x40: {  	v7 =	vld [tilespmem:s15+$0x30];
	[tilespmem:s17+$0x20] =	vst v3  }
0x41: {  	v1 =	vld [tilespmem:s15+$0xFFFFFFF0];
	[tilespmem:s17+$0x30] =	vst v4  }
0x42: {  	v4 =	vld [tilespmem:s15+$0x20];
	[tilespmem:s17+$0x40] =	vst v5  }
0x43: {  	[tilespmem:s17+$0x50] =	vst v6;
	v3 =	vld [tilespmem:s15+$0x40]  }
0x44: {  	[tilespmem:s17+$0x60] =	vst v8;
	v2 =	vld [tilespmem:s15+$0x50]  }
0x45: {  	v5 =	vld [tilespmem:s15+$0xFFFFFF80];
	[tilespmem:s17+$0x400] =	vst v9  }
0x46: {  	[tilespmem:s17+$0x70] =	vst v1;
	v1 =	vld [tilespmem:s15+$0x60];
	s15 =	sadd.s32 $0x100, s15  }
0x47: {  	s19 =	simm.s32 $0x100;
	s18 =	simm.s32 $0x200;
	[tilespmem:v0+s14+$0x410 ss:$0x1] =	vst.idx.msk $0xffff, v10;
	v6 =	vld [tilespmem:s15+$0x70]  }
.LBB1_3:
0x48: {  	p0 =	sne.s32 s18, $0x3F00;
	v8 =	vld [tilespmem:s15+$0xFFFFFF90];
	[tilespmem:v0+s14+$0x420 ss:$0x1] =	vst.idx.msk $0xffff, v4  }
0x49: {  	s16 =	sadd.s32 $0x80, s16;
	v4 =	vld [tilespmem:s15+$0xFFFFFFA0];
	[tilespmem:v0+s14+$0x430 ss:$0x1] =	vst.idx.msk $0xffff, v7  }
0x4a: {  	s19 =	sand.u32 $0x3800, s19;
	s20 =	sand.u32 $0x380, s16;
	s21 =	sand.u32 $0x80, s16;
	v7 =	vld [tilespmem:s15+$0xFFFFFFB0];
	[tilespmem:v0+s14+$0x440 ss:$0x1] =	vst.idx.msk $0xffff, v3  }
0x4b: {  	s20 =	sor.u32 s20, s19;
	s19 =	smov.u32 s18;
	v3 =	vld [tilespmem:s15+$0xFFFFFFC0];
	[tilespmem:s17+$0x0] =	vst v5  }
0x4c: {  	s17 =	sand.u32 $0x3B00, s20;
	v5 =	vld [tilespmem:s15+$0xFFFFFFD0];
	[tilespmem:v0+s20+$0x470 ss:$0x1] =	vst.idx.msk $0xffff, v6  }
0x4d: {  	s17 =	sadd.s32 s17, s13;
	v6 =	vld [tilespmem:s15+$0xFFFFFFE0];
	[tilespmem:v0+s14+$0x450 ss:$0x1] =	vst.idx.msk $0xffff, v2  }
0x4e: {  	s17 =	sadd.s32 s21, s17;
	v9 =	vld [tilespmem:s15+$0xFFFFFFF0];
	[tilespmem:v0+s14+$0x460 ss:$0x1] =	vst.idx.msk $0xffff, v1;
	s14 =	smov.u32 s20  }
0x4f: {  	[tilespmem:s17+$0x10] =	vst v8;
	v8 =	vld [tilespmem:s15+$0x0]  }
0x50: {  	[tilespmem:s17+$0x20] =	vst v4;
	v10 =	vld [tilespmem:s15+$0x10]  }
0x51: {  	[tilespmem:s17+$0x30] =	vst v7;
	v4 =	vld [tilespmem:s15+$0x20]  }
0x52: {  	[tilespmem:s17+$0x40] =	vst v3;
	v7 =	vld [tilespmem:s15+$0x30]  }
.Ltmp3:
0x53: {  	[tilespmem:s17+$0x50] =	vst v5;
	v3 =	vld [tilespmem:s15+$0x40];
	(pc) =	sbr.rel @p0 .LBB1_3-.Ltmp3, $4  }
0x54: {  	[tilespmem:s17+$0x60] =	vst v6;
	v2 =	vld [tilespmem:s15+$0x50]  }
0x55: {  	[tilespmem:s17+$0x70] =	vst v9;
	v1 =	vld [tilespmem:s15+$0x60]  }
0x56: {  	v5 =	vld [tilespmem:s15+$0xFFFFFF80];
	[tilespmem:s17+$0x400] =	vst v8;
	s15 =	sadd.s32 $0x100, s15  }
0x57: {  	s18 =	sadd.s32 $0x100, s18;
	v6 =	vld [tilespmem:s15+$0x70];
	[tilespmem:v0+s14+$0x410 ss:$0x1] =	vst.idx.msk $0xffff, v10  }
.Ltmp4:
0x58: {  	_ = 	snop;
	(pc) =	sbr.rel .LBB1_4-.Ltmp4, $1  }
0x59: {  	_ =	sdelay $0x3  }
.LBB1_6:
0x5a: {  	_ =	sfence.sel $0x180000  }
0x5b: {  	s2 =	simm.s32 $0x1;
	[bflag:$0x0] =	sbarrier.arrive $0xFFFF  }
0x5c: {  	s31 =	simm.s32 $0x2;
	[sflag:s2] =	ssyncpa.u1 $0x1  }
0x5d: {  	[sflag:s31] =	ssyncpa.u1 $0x1  }
0x5e: {  	p0 =	sne.s32 s0, $0x0;
	_ =	strace $0x90000047  }
0x5f: {  	s0 =	sadd.s32 @!p0 $0x100000, s1;
	[bflag:$0x2] =	sbarrier.arrive $0xFFFF  }
0x60: {  	[sflag:s0] =	ssyncadd.tile.s32 @!p0 $0x1;
	_ =	shalt  }
.Lfunc_end1:
_tile_overlayer_lowered:
.L_overlay_start_2:
0x61: {  	(tag) =	ssettag $0x2  }
0x62: {  	s0 =	rddreg [dreg:$0x0];
	s2 =	stileid.u32  }
0x63: {  	s1 =	rddreg [dreg:$0x1];
	p0 =	sne.s32 s2, $0x0  }
0x64: {  	s3 =	rddreg [dreg:$0x2];
	[bflag:$0x3] =	sbarrier.arrive $0xFFFF;
	s2 =	simm.s32 @!p0 $0x1C01  }
0x65: {  	[timem:s3], [sflag:s2] =	dma.local @!p0 [hbm:s0], s1  }
0x66: {  	s0 =	simm.s32 @!p0 $0x1  }
0x67: {  	_ =	swait.ge @!p0 [sflag:s0], s1  }
0x68: {  	s1 =	ssub.s32 @!p0 $0x0, s1;
	[sflag:s0] =	ssyncset.done @!p0 $0x0  }
0x69: {  	[sflag:s0] =	ssyncadd.s32 @!p0 s1  }
0x6a: {  	[bflag:$0x3] =	sbarrier.arrive $0xFFFF  }
0x6b: {  	_ =	shalt  }

</sc_bundles>
